<compile_context>
chip_gen: v7x
topology: tpu7x:2x2x1
jax: 0.10.2.dev20260603
libtpu: 0.0.44.dev20260713+nightly
codegen_flags: <defaults>
</compile_context>

<pallas_src>
import functools

import jax
import jax.numpy as jnp
from jax import lax
from jax.experimental import pallas as pl
from jax.experimental.pallas import tpu as pltpu
from jax.experimental.pallas import tpu_sc as plsc

N = 100000
D = 128
B = 160
C = N // B
NC = 2
NS = 16
NW = NC * NS
BIG = C - (C // NW) * NW
CPW_BIG = C // NW + 1
CPW_SMALL = C // NW
NBUF = 5
BLOCKS = (CPW_BIG + 4 + NBUF - 1) // NBUF
V = 512
LANES = 16

_mesh = plsc.VectorSubcoreMesh(core_axis_name="c", subcore_axis_name="s")


@functools.partial(
    pl.kernel,
    out_type=jax.ShapeDtypeStruct((N, D), jnp.float32),
    mesh=_mesh,
    scratch_types=[
        pltpu.VMEM((CPW_BIG * B,), jnp.int32),
        pltpu.VMEM((CPW_BIG * B,), jnp.int32),
        pltpu.VMEM((CPW_BIG * B,), jnp.int32),
        [pltpu.VMEM((B, D), jnp.float32) for _ in range(NBUF)],
        [pltpu.SemaphoreType.DMA for _ in range(NBUF)],
        pltpu.VMEM_SHARED((V, D), jnp.float32),
        pltpu.VMEM_SHARED((V, D), jnp.float32),
    ],
)
def _sc_kernel(x_hbm, ind_hbm, outd_hbm, zin_hbm, zout_hbm, o_hbm,
               idx_i, idx_o, ridx, acc, sems, sh_zin, sh_zout):
    cid = lax.axis_index("c")
    sid = lax.axis_index("s")
    wid = sid * NC + cid
    is_big = wid < BIG
    s0 = jnp.where(is_big, wid * CPW_BIG, wid * CPW_SMALL + BIG)
    n = jnp.where(is_big, CPW_BIG, CPW_SMALL)

    @pl.when(is_big)
    def _idx_big():
        pltpu.async_copy(ind_hbm.at[pl.ds(s0 * B, CPW_BIG * B)], idx_i,
                         sems[0])
        pltpu.async_copy(outd_hbm.at[pl.ds(s0 * B, CPW_BIG * B)], idx_o,
                         sems[1])

    @pl.when(jnp.logical_not(is_big))
    def _idx_small():
        pltpu.async_copy(ind_hbm.at[pl.ds(s0 * B, CPW_SMALL * B)],
                         idx_i.at[pl.ds(0, CPW_SMALL * B)], sems[0])
        pltpu.async_copy(outd_hbm.at[pl.ds(s0 * B, CPW_SMALL * B)],
                         idx_o.at[pl.ds(0, CPW_SMALL * B)], sems[1])

    TS = V // NS
    pltpu.async_copy(zin_hbm.at[pl.ds(sid * TS, TS)],
                     sh_zin.at[pl.ds(sid * TS, TS)], sems[2])
    pltpu.async_copy(zout_hbm.at[pl.ds(sid * TS, TS)],
                     sh_zout.at[pl.ds(sid * TS, TS)], sems[3])

    iota16 = lax.broadcasted_iota(jnp.int32, (LANES,), 0)
    row0 = s0 * B + iota16

    def rid_body(g, _):
        ridx[pl.ds(g * LANES, LANES)] = row0 + g * LANES
        return 0

    lax.fori_loop(0, n * (B // LANES), rid_body, 0)

    @pl.when(is_big)
    def _w_big():
        pltpu.make_async_copy(ind_hbm.at[pl.ds(0, CPW_BIG * B)], idx_i,
                              sems[0]).wait()
        pltpu.make_async_copy(ind_hbm.at[pl.ds(0, CPW_BIG * B)], idx_o,
                              sems[1]).wait()

    @pl.when(jnp.logical_not(is_big))
    def _w_small():
        pltpu.make_async_copy(ind_hbm.at[pl.ds(0, CPW_SMALL * B)],
                              idx_i.at[pl.ds(0, CPW_SMALL * B)],
                              sems[0]).wait()
        pltpu.make_async_copy(ind_hbm.at[pl.ds(0, CPW_SMALL * B)],
                              idx_o.at[pl.ds(0, CPW_SMALL * B)],
                              sems[1]).wait()

    pltpu.make_async_copy(zin_hbm.at[pl.ds(0, TS)],
                          sh_zin.at[pl.ds(0, TS)], sems[2]).wait()
    pltpu.make_async_copy(zout_hbm.at[pl.ds(0, TS)],
                          sh_zout.at[pl.ds(0, TS)], sems[3]).wait()
    plsc.subcore_barrier()

    def ok(c):
        return jnp.logical_and(c >= 0, c < n)

    def s1_zin(c, buf, sem):
        @pl.when(ok(c))
        def _():
            pltpu.async_copy(sh_zin.at[idx_i.at[pl.ds(c * B, B)]], buf, sem)

    def s2_zout(c, buf, sem):
        @pl.when(ok(c))
        def _():
            pltpu.make_async_copy(sh_zin.at[pl.ds(0, B)], buf, sem).wait()
            pltpu.async_copy(sh_zout.at[idx_o.at[pl.ds(c * B, B)]], buf, sem,
                             add=True)

    def s3_x(c, buf, sem):
        @pl.when(ok(c))
        def _():
            pltpu.make_async_copy(sh_zin.at[pl.ds(0, B)], buf, sem).wait()
            pltpu.async_copy(x_hbm.at[ridx.at[pl.ds(c * B, B)]], buf, sem,
                             add=True)

    def s4_out(c, buf, sem):
        @pl.when(ok(c))
        def _():
            pltpu.make_async_copy(x_hbm.at[pl.ds(0, B)], buf, sem).wait()
            pltpu.async_copy(buf, o_hbm.at[pl.ds((s0 + c) * B, B)], sem)

    def s5_drain(c, buf, sem):
        @pl.when(ok(c))
        def _():
            pltpu.make_async_copy(buf, o_hbm.at[pl.ds(0, B)], sem).wait()

    def block(t, _):
        for off in range(NBUF):
            p = t * NBUF + off
            s5_drain(p - 5, acc[off], sems[off])
            s1_zin(p, acc[off], sems[off])
            s4_out(p - 3, acc[(off + 2) % NBUF], sems[(off + 2) % NBUF])
            s3_x(p - 2, acc[(off + 3) % NBUF], sems[(off + 3) % NBUF])
            s2_zout(p - 1, acc[(off + 4) % NBUF], sems[(off + 4) % NBUF])
        return 0

    lax.fori_loop(0, BLOCKS, block, 0)


def kernel(x, in_degree, out_degree, z_in, z_out):
    return _sc_kernel(x, in_degree.astype(jnp.int32),
                      out_degree.astype(jnp.int32), z_in, z_out)

# --- scband reference (transcript-rebuilt; emitter-appended) ---
"""Pipeline reference for scband-example-model-56453050139206 (READ-ONLY COPY).

The authoritative reference and input builder live on the scoring server;
editing this copy changes nothing except your own understanding.
"""

import jax, jax.numpy as jnp
import numpy as np

N = 100000
NODE_DIM = 128
MAX_IN = 512
MAX_OUT = 512

def setup_inputs(seed: int = 0) -> dict:
    key = jax.random.key(seed)
    k_x, k_in, k_out, k_zin, k_zout = jax.random.split(key, 5)
    x = jax.random.normal(k_x, (N, NODE_DIM), dtype=jnp.float32)
    in_degree = jax.random.randint(k_in, (N,), 0, MAX_IN, dtype=jnp.int64)
    out_degree = jax.random.randint(k_out, (N,), 0, MAX_OUT, dtype=jnp.int64)
    z_in = jax.random.normal(k_zin, (MAX_IN, NODE_DIM), dtype=jnp.float32)
    z_out = jax.random.normal(k_zout, (MAX_OUT, NODE_DIM), dtype=jnp.float32)
    return {"x": x, "in_degree": in_degree, "out_degree": out_degree, "z_in": z_in, "z_out": z_out}

def reference(x, in_degree, out_degree, z_in, z_out):
    # x += z_in[in_degree] + z_out[out_degree]; return x
    gathered_in = jnp.take(z_in, in_degree, axis=0)
    gathered_out = jnp.take(z_out, out_degree, axis=0)
    out = x + gathered_in + gathered_out
    return out

if __name__ == "__main__":
    import jax
    _d = setup_inputs()
    print(jax.jit(kernel)(*tuple(_d.values())))

</pallas_src>

<mosaic_0001>
#map = affine_map<(d0, d1) -> (0, 0)>
#map1 = affine_map<(d0, d1) -> (0)>
module attributes {stable_mosaic.version = 14 : i64} {
  func.func @_sc_kernel(%arg0: i32, %arg1: i32, %arg2: memref<100000x128xf32, #tpu.memory_space<hbm>>, %arg3: memref<100000xi32, #tpu.memory_space<hbm>>, %arg4: memref<100000xi32, #tpu.memory_space<hbm>>, %arg5: memref<512x128xf32, #tpu.memory_space<hbm>>, %arg6: memref<512x128xf32, #tpu.memory_space<hbm>>, %arg7: memref<100000x128xf32, #tpu.memory_space<hbm>>, %arg8: memref<3200xi32, #tpu.memory_space<vmem>>, %arg9: memref<3200xi32, #tpu.memory_space<vmem>>, %arg10: memref<3200xi32, #tpu.memory_space<vmem>>, %arg11: memref<160x128xf32, #tpu.memory_space<vmem>>, %arg12: memref<160x128xf32, #tpu.memory_space<vmem>>, %arg13: memref<160x128xf32, #tpu.memory_space<vmem>>, %arg14: memref<160x128xf32, #tpu.memory_space<vmem>>, %arg15: memref<160x128xf32, #tpu.memory_space<vmem>>, %arg16: memref<!tpu.dma_semaphore, #tpu.memory_space<semaphore_mem>>, %arg17: memref<!tpu.dma_semaphore, #tpu.memory_space<semaphore_mem>>, %arg18: memref<!tpu.dma_semaphore, #tpu.memory_space<semaphore_mem>>, %arg19: memref<!tpu.dma_semaphore, #tpu.memory_space<semaphore_mem>>, %arg20: memref<!tpu.dma_semaphore, #tpu.memory_space<semaphore_mem>>, %arg21: memref<512x128xf32, #tpu.memory_space<vmem_shared>>, %arg22: memref<512x128xf32, #tpu.memory_space<vmem_shared>>) attributes {dimension_semantics = [#tpu.dimension_semantics<core_parallel>, #tpu.dimension_semantics<subcore_parallel>], iteration_bounds = array<i64: 2, 16>, scalar_prefetch = 0 : i64, scratch_operands = 15 : i64, tpu.core_type = #tpu.core_type<sc_vector_subcore>, window_params = [{transform_indices = #map}, {transform_indices = #map1}, {transform_indices = #map1}, {transform_indices = #map}, {transform_indices = #map}, {transform_indices = #map}]} {
    %mul3A = arith.constant 2 : i32
    %mul3A_0 = arith.muli %arg1, %mul3A : i32
    %add3A = arith.addi %mul3A_0, %arg0 : i32
    %lt3A = arith.constant 17 : i32
    %lt3A_1 = arith.cmpi slt, %add3A, %lt3A : i32
    %mul3A_2 = arith.constant 20 : i32
    %mul3A_3 = arith.muli %add3A, %mul3A_2 : i32
    %mul3A_4 = arith.constant 19 : i32
    %mul3A_5 = arith.muli %add3A, %mul3A_4 : i32
    %add3A_6 = arith.constant 17 : i32
    %add3A_7 = arith.addi %mul3A_5, %add3A_6 : i32
    %select_n3A = arith.select %lt3A_1, %mul3A_3, %add3A_7 : i32
    %jit3A = arith.constant 20 : i32
    %jit3A_8 = arith.constant 19 : i32
    %select_n3A_9 = arith.select %lt3A_1, %jit3A, %jit3A_8 : i32
    %convert_element_type3A = arith.extui %lt3A_1 : i1 to i32
    %cond3A = arith.constant 0 : i32
    %cond3A_10 = arith.cmpi ne, %convert_element_type3A, %cond3A : i32
    scf.if %cond3A_10 {
      %mul3A_72 = arith.constant 160 : i32
      %mul3A_73 = arith.muli %select_n3A, %mul3A_72 : i32
      %dma_start3A_74 = tpu.memref_slice %arg3[%mul3A_73] : memref<100000xi32, #tpu.memory_space<hbm>> -> memref<3200xi32, #tpu.memory_space<hbm>>
      %dma_start3A_75 = tpu.memref_slice %arg3[%mul3A_73] : memref<100000xi32, #tpu.memory_space<hbm>> -> memref<3200xi32, #tpu.memory_space<hbm>>
      tpu.enqueue_dma source(%dma_start3A_75 : memref<3200xi32, #tpu.memory_space<hbm>>) target(%arg8 : memref<3200xi32, #tpu.memory_space<vmem>>) target_semaphore(%arg16 : memref<!tpu.dma_semaphore, #tpu.memory_space<semaphore_mem>>)
      %mul3A_76 = arith.constant 160 : i32
      %mul3A_77 = arith.muli %select_n3A, %mul3A_76 : i32
      %dma_start3A_78 = tpu.memref_slice %arg4[%mul3A_77] : memref<100000xi32, #tpu.memory_space<hbm>> -> memref<3200xi32, #tpu.memory_space<hbm>>
      %dma_start3A_79 = tpu.memref_slice %arg4[%mul3A_77] : memref<100000xi32, #tpu.memory_space<hbm>> -> memref<3200xi32, #tpu.memory_space<hbm>>
      tpu.enqueue_dma source(%dma_start3A_79 : memref<3200xi32, #tpu.memory_space<hbm>>) target(%arg9 : memref<3200xi32, #tpu.memory_space<vmem>>) target_semaphore(%arg17 : memref<!tpu.dma_semaphore, #tpu.memory_space<semaphore_mem>>)
    } else {
    }
    %not3A = arith.constant true
    %not3A_11 = arith.xori %lt3A_1, %not3A : i1
    %convert_element_type3A_12 = arith.extui %not3A_11 : i1 to i32
    %cond3A_13 = arith.constant 0 : i32
    %cond3A_14 = arith.cmpi ne, %convert_element_type3A_12, %cond3A_13 : i32
    scf.if %cond3A_14 {
      %mul3A_72 = arith.constant 160 : i32
      %mul3A_73 = arith.muli %select_n3A, %mul3A_72 : i32
      %dma_start3A_74 = arith.constant 0 : i32
      %dma_start3A_75 = tpu.memref_slice %arg8[%dma_start3A_74] : memref<3200xi32, #tpu.memory_space<vmem>> -> memref<3040xi32, #tpu.memory_space<vmem>>
      %dma_start3A_76 = tpu.memref_slice %arg3[%mul3A_73] : memref<100000xi32, #tpu.memory_space<hbm>> -> memref<3040xi32, #tpu.memory_space<hbm>>
      %dma_start3A_77 = arith.constant 0 : i32
      %dma_start3A_78 = tpu.memref_slice %arg8[%dma_start3A_77] : memref<3200xi32, #tpu.memory_space<vmem>> -> memref<3040xi32, #tpu.memory_space<vmem>>
      %dma_start3A_79 = tpu.memref_slice %arg3[%mul3A_73] : memref<100000xi32, #tpu.memory_space<hbm>> -> memref<3040xi32, #tpu.memory_space<hbm>>
      tpu.enqueue_dma source(%dma_start3A_79 : memref<3040xi32, #tpu.memory_space<hbm>>) target(%dma_start3A_78 : memref<3040xi32, #tpu.memory_space<vmem>>) target_semaphore(%arg16 : memref<!tpu.dma_semaphore, #tpu.memory_space<semaphore_mem>>)
      %mul3A_80 = arith.constant 160 : i32
      %mul3A_81 = arith.muli %select_n3A, %mul3A_80 : i32
      %dma_start3A_82 = arith.constant 0 : i32
      %dma_start3A_83 = tpu.memref_slice %arg9[%dma_start3A_82] : memref<3200xi32, #tpu.memory_space<vmem>> -> memref<3040xi32, #tpu.memory_space<vmem>>
      %dma_start3A_84 = tpu.memref_slice %arg4[%mul3A_81] : memref<100000xi32, #tpu.memory_space<hbm>> -> memref<3040xi32, #tpu.memory_space<hbm>>
      %dma_start3A_85 = arith.constant 0 : i32
      %dma_start3A_86 = tpu.memref_slice %arg9[%dma_start3A_85] : memref<3200xi32, #tpu.memory_space<vmem>> -> memref<3040xi32, #tpu.memory_space<vmem>>
      %dma_start3A_87 = tpu.memref_slice %arg4[%mul3A_81] : memref<100000xi32, #tpu.memory_space<hbm>> -> memref<3040xi32, #tpu.memory_space<hbm>>
      tpu.enqueue_dma source(%dma_start3A_87 : memref<3040xi32, #tpu.memory_space<hbm>>) target(%dma_start3A_86 : memref<3040xi32, #tpu.memory_space<vmem>>) target_semaphore(%arg17 : memref<!tpu.dma_semaphore, #tpu.memory_space<semaphore_mem>>)
    } else {
    }
    %mul3A_15 = arith.constant 32 : i32
    %mul3A_16 = arith.muli %arg1, %mul3A_15 : i32
    %mul3A_17 = arith.constant 32 : i32
    %mul3A_18 = arith.muli %arg1, %mul3A_17 : i32
    %dma_start3A = arith.constant 0 : i32
    %dma_start3A_19 = tpu.memref_slice %arg21[%mul3A_18, %dma_start3A] : memref<512x128xf32, #tpu.memory_space<vmem_shared>> -> memref<32x128xf32, #tpu.memory_space<vmem_shared>>
    %dma_start3A_20 = arith.constant 0 : i32
    %dma_start3A_21 = tpu.memref_slice %arg5[%mul3A_16, %dma_start3A_20] : memref<512x128xf32, #tpu.memory_space<hbm>> -> memref<32x128xf32, #tpu.memory_space<hbm>>
    tpu.enqueue_dma source(%dma_start3A_21 : memref<32x128xf32, #tpu.memory_space<hbm>>) target(%dma_start3A_19 : memref<32x128xf32, #tpu.memory_space<vmem_shared>>) target_semaphore(%arg18 : memref<!tpu.dma_semaphore, #tpu.memory_space<semaphore_mem>>)
    %mul3A_22 = arith.constant 32 : i32
    %mul3A_23 = arith.muli %arg1, %mul3A_22 : i32
    %mul3A_24 = arith.constant 32 : i32
    %mul3A_25 = arith.muli %arg1, %mul3A_24 : i32
    %dma_start3A_26 = arith.constant 0 : i32
    %dma_start3A_27 = tpu.memref_slice %arg22[%mul3A_25, %dma_start3A_26] : memref<512x128xf32, #tpu.memory_space<vmem_shared>> -> memref<32x128xf32, #tpu.memory_space<vmem_shared>>
    %dma_start3A_28 = arith.constant 0 : i32
    %dma_start3A_29 = tpu.memref_slice %arg6[%mul3A_23, %dma_start3A_28] : memref<512x128xf32, #tpu.memory_space<hbm>> -> memref<32x128xf32, #tpu.memory_space<hbm>>
    tpu.enqueue_dma source(%dma_start3A_29 : memref<32x128xf32, #tpu.memory_space<hbm>>) target(%dma_start3A_27 : memref<32x128xf32, #tpu.memory_space<vmem_shared>>) target_semaphore(%arg19 : memref<!tpu.dma_semaphore, #tpu.memory_space<semaphore_mem>>)
    %iota3A = tpu.iota {dimensions = array<i32: 0>} : vector<16xi32>
    %mul3A_30 = arith.constant 160 : i32
    %mul3A_31 = arith.muli %select_n3A, %mul3A_30 : i32
    %add3A_32 = vector.broadcast %mul3A_31 : i32 to vector<16xi32>
    %add3A_33 = arith.addi %add3A_32, %iota3A : vector<16xi32>
    %mul3A_34 = arith.constant 10 : i32
    %mul3A_35 = arith.muli %select_n3A_9, %mul3A_34 : i32
    %while3A = arith.constant 0 : i32
    %while3A_36 = arith.constant 0 : i32
    %while3A_37 = arith.subi %mul3A_35, %while3A : i32
    %while3A_38 = arith.addi %while3A, %while3A_37 : i32
    %while3A_39 = arith.constant 1 : i32
    %while3A_40 = arith.divsi %while3A_37, %while3A_39 : i32
    %while3A_41 = arith.muli %while3A_40, %while3A_39 : i32
    %while3A_42 = arith.addi %while3A, %while3A_41 : i32
    %while3A_43 = arith.constant 1 : i32
    %while3A_44 = scf.for %while3A_72 = %while3A to %while3A_42 step %while3A_43 iter_args(%while3A_73 = %while3A_36) -> (i32)  : i32 {
      %mul3A_74 = arith.constant 16 : i32
      %mul3A_75 = arith.muli %while3A_72, %mul3A_74 : i32
      %add3A_76 = vector.broadcast %mul3A_75 : i32 to vector<16xi32>
      %add3A_77 = arith.addi %add3A_33, %add3A_76 : vector<16xi32>
      %mul3A_78 = arith.constant 16 : i32
      %mul3A_79 = arith.muli %while3A_72, %mul3A_78 : i32
      %swap3A = arith.index_cast %mul3A_79 : i32 to index
      %swap3A_80 = tpu.vector_load %arg10[%swap3A] {strides = array<i32>} : memref<3200xi32, #tpu.memory_space<vmem>>, vector<16xi32>,
      %swap3A_81 = vector.shape_cast %swap3A_80 : vector<16xi32> to vector<16xi32>
      %swap3A_82 = vector.shape_cast %add3A_77 : vector<16xi32> to vector<16xi32>
      tpu.vector_store %arg10[%swap3A], %swap3A_82 {strides = array<i32>} : memref<3200xi32, #tpu.memory_space<vmem>>, vector<16xi32>,
      %while3A_83 = arith.constant 0 : i32
      scf.yield %while3A_83 : i32
    }
    %while3A_45 = arith.constant 1 : i32
    %while3A_46 = scf.for %while3A_72 = %while3A_42 to %while3A_38 step %while3A_45 iter_args(%while3A_73 = %while3A_44) -> (i32)  : i32 {
      %mul3A_74 = arith.constant 16 : i32
      %mul3A_75 = arith.muli %while3A_72, %mul3A_74 : i32
      %add3A_76 = vector.broadcast %mul3A_75 : i32 to vector<16xi32>
      %add3A_77 = arith.addi %add3A_33, %add3A_76 : vector<16xi32>
      %mul3A_78 = arith.constant 16 : i32
      %mul3A_79 = arith.muli %while3A_72, %mul3A_78 : i32
      %swap3A = arith.index_cast %mul3A_79 : i32 to index
      %swap3A_80 = tpu.vector_load %arg10[%swap3A] {strides = array<i32>} : memref<3200xi32, #tpu.memory_space<vmem>>, vector<16xi32>,
      %swap3A_81 = vector.shape_cast %swap3A_80 : vector<16xi32> to vector<16xi32>
      %swap3A_82 = vector.shape_cast %add3A_77 : vector<16xi32> to vector<16xi32>
      tpu.vector_store %arg10[%swap3A], %swap3A_82 {strides = array<i32>} : memref<3200xi32, #tpu.memory_space<vmem>>, vector<16xi32>,
      %while3A_83 = arith.constant 0 : i32
      scf.yield %while3A_83 : i32
    }
    %convert_element_type3A_47 = arith.extui %lt3A_1 : i1 to i32
    %cond3A_48 = arith.constant 0 : i32
    %cond3A_49 = arith.cmpi ne, %convert_element_type3A_47, %cond3A_48 : i32
    scf.if %cond3A_49 {
      %dma_wait3A_72 = arith.constant 0 : i32
      %dma_wait3A_73 = tpu.memref_slice %arg3[%dma_wait3A_72] : memref<100000xi32, #tpu.memory_space<hbm>> -> memref<3200xi32, #tpu.memory_space<hbm>>
      %dma_wait3A_74 = arith.constant 0 : i32
      %dma_wait3A_75 = tpu.memref_slice %arg3[%dma_wait3A_74] : memref<100000xi32, #tpu.memory_space<hbm>> -> memref<3200xi32, #tpu.memory_space<hbm>>
      tpu.wait_dma2 semaphore(%arg16 : memref<!tpu.dma_semaphore, #tpu.memory_space<semaphore_mem>>) src(%dma_wait3A_75 : memref<3200xi32, #tpu.memory_space<hbm>>) dst(%arg8 : memref<3200xi32, #tpu.memory_space<vmem>>)
      %dma_wait3A_76 = arith.constant 0 : i32
      %dma_wait3A_77 = tpu.memref_slice %arg3[%dma_wait3A_76] : memref<100000xi32, #tpu.memory_space<hbm>> -> memref<3200xi32, #tpu.memory_space<hbm>>
      %dma_wait3A_78 = arith.constant 0 : i32
      %dma_wait3A_79 = tpu.memref_slice %arg3[%dma_wait3A_78] : memref<100000xi32, #tpu.memory_space<hbm>> -> memref<3200xi32, #tpu.memory_space<hbm>>
      tpu.wait_dma2 semaphore(%arg17 : memref<!tpu.dma_semaphore, #tpu.memory_space<semaphore_mem>>) src(%dma_wait3A_79 : memref<3200xi32, #tpu.memory_space<hbm>>) dst(%arg9 : memref<3200xi32, #tpu.memory_space<vmem>>)
    } else {
    }
    %not3A_50 = arith.constant true
    %not3A_51 = arith.xori %lt3A_1, %not3A_50 : i1
    %convert_element_type3A_52 = arith.extui %not3A_51 : i1 to i32
    %cond3A_53 = arith.constant 0 : i32
    %cond3A_54 = arith.cmpi ne, %convert_element_type3A_52, %cond3A_53 : i32
    scf.if %cond3A_54 {
      %dma_wait3A_72 = arith.constant 0 : i32
      %dma_wait3A_73 = tpu.memref_slice %arg8[%dma_wait3A_72] : memref<3200xi32, #tpu.memory_space<vmem>> -> memref<3040xi32, #tpu.memory_space<vmem>>
      %dma_wait3A_74 = arith.constant 0 : i32
      %dma_wait3A_75 = tpu.memref_slice %arg3[%dma_wait3A_74] : memref<100000xi32, #tpu.memory_space<hbm>> -> memref<3040xi32, #tpu.memory_space<hbm>>
      %dma_wait3A_76 = arith.constant 0 : i32
      %dma_wait3A_77 = tpu.memref_slice %arg8[%dma_wait3A_76] : memref<3200xi32, #tpu.memory_space<vmem>> -> memref<3040xi32, #tpu.memory_space<vmem>>
      %dma_wait3A_78 = arith.constant 0 : i32
      %dma_wait3A_79 = tpu.memref_slice %arg3[%dma_wait3A_78] : memref<100000xi32, #tpu.memory_space<hbm>> -> memref<3040xi32, #tpu.memory_space<hbm>>
      tpu.wait_dma2 semaphore(%arg16 : memref<!tpu.dma_semaphore, #tpu.memory_space<semaphore_mem>>) src(%dma_wait3A_79 : memref<3040xi32, #tpu.memory_space<hbm>>) dst(%dma_wait3A_77 : memref<3040xi32, #tpu.memory_space<vmem>>)
      %dma_wait3A_80 = arith.constant 0 : i32
      %dma_wait3A_81 = tpu.memref_slice %arg9[%dma_wait3A_80] : memref<3200xi32, #tpu.memory_space<vmem>> -> memref<3040xi32, #tpu.memory_space<vmem>>
      %dma_wait3A_82 = arith.constant 0 : i32
      %dma_wait3A_83 = tpu.memref_slice %arg3[%dma_wait3A_82] : memref<100000xi32, #tpu.memory_space<hbm>> -> memref<3040xi32, #tpu.memory_space<hbm>>
      %dma_wait3A_84 = arith.constant 0 : i32
      %dma_wait3A_85 = tpu.memref_slice %arg9[%dma_wait3A_84] : memref<3200xi32, #tpu.memory_space<vmem>> -> memref<3040xi32, #tpu.memory_space<vmem>>
      %dma_wait3A_86 = arith.constant 0 : i32
      %dma_wait3A_87 = tpu.memref_slice %arg3[%dma_wait3A_86] : memref<100000xi32, #tpu.memory_space<hbm>> -> memref<3040xi32, #tpu.memory_space<hbm>>
      tpu.wait_dma2 semaphore(%arg17 : memref<!tpu.dma_semaphore, #tpu.memory_space<semaphore_mem>>) src(%dma_wait3A_87 : memref<3040xi32, #tpu.memory_space<hbm>>) dst(%dma_wait3A_85 : memref<3040xi32, #tpu.memory_space<vmem>>)
    } else {
    }
    %dma_wait3A = arith.constant 0 : i32
    %dma_wait3A_55 = arith.constant 0 : i32
    %dma_wait3A_56 = tpu.memref_slice %arg21[%dma_wait3A, %dma_wait3A_55] : memref<512x128xf32, #tpu.memory_space<vmem_shared>> -> memref<32x128xf32, #tpu.memory_space<vmem_shared>>
    %dma_wait3A_57 = arith.constant 0 : i32
    %dma_wait3A_58 = arith.constant 0 : i32
    %dma_wait3A_59 = tpu.memref_slice %arg5[%dma_wait3A_57, %dma_wait3A_58] : memref<512x128xf32, #tpu.memory_space<hbm>> -> memref<32x128xf32, #tpu.memory_space<hbm>>
    tpu.wait_dma2 semaphore(%arg18 : memref<!tpu.dma_semaphore, #tpu.memory_space<semaphore_mem>>) src(%dma_wait3A_59 : memref<32x128xf32, #tpu.memory_space<hbm>>) dst(%dma_wait3A_56 : memref<32x128xf32, #tpu.memory_space<vmem_shared>>)
    %dma_wait3A_60 = arith.constant 0 : i32
    %dma_wait3A_61 = arith.constant 0 : i32
    %dma_wait3A_62 = tpu.memref_slice %arg22[%dma_wait3A_60, %dma_wait3A_61] : memref<512x128xf32, #tpu.memory_space<vmem_shared>> -> memref<32x128xf32, #tpu.memory_space<vmem_shared>>
    %dma_wait3A_63 = arith.constant 0 : i32
    %dma_wait3A_64 = arith.constant 0 : i32
    %dma_wait3A_65 = tpu.memref_slice %arg6[%dma_wait3A_63, %dma_wait3A_64] : memref<512x128xf32, #tpu.memory_space<hbm>> -> memref<32x128xf32, #tpu.memory_space<hbm>>
    tpu.wait_dma2 semaphore(%arg19 : memref<!tpu.dma_semaphore, #tpu.memory_space<semaphore_mem>>) src(%dma_wait3A_65 : memref<32x128xf32, #tpu.memory_space<hbm>>) dst(%dma_wait3A_62 : memref<32x128xf32, #tpu.memory_space<vmem_shared>>)
    %barrier3A = arith.constant 0 : index
    tpu.barrier barrier_id(%barrier3A)
    %scan3A = arith.constant 0 : i32
    %scan3A_66 = arith.constant 0 : i32
    %scan3A_67 = arith.constant 5 : i32
    %scan3A_68 = arith.addi %scan3A_66, %scan3A_67 : i32
    %scan3A_69 = arith.constant 1 : i32
    %scan3A_70 = scf.for %scan3A_72 = %scan3A_66 to %scan3A_68 step %scan3A_69 iter_args(%scan3A_73 = %scan3A) -> (i32)  : i32 {
      %mul3A_74 = arith.constant 5 : i32
      %mul3A_75 = arith.muli %scan3A_72, %mul3A_74 : i32
      %add3A_76 = arith.constant 0 : i32
      %add3A_77 = arith.addi %mul3A_75, %add3A_76 : i32
      %sub3A = arith.constant 5 : i32
      %sub3A_78 = arith.subi %add3A_77, %sub3A : i32
      %ge3A = arith.constant 0 : i32
      %ge3A_79 = arith.cmpi sge, %sub3A_78, %ge3A : i32
      %lt3A_80 = arith.cmpi slt, %sub3A_78, %select_n3A_9 : i32
      %and3A = arith.andi %ge3A_79, %lt3A_80 : i1
      %convert_element_type3A_81 = arith.extui %and3A : i1 to i32
      %cond3A_82 = arith.constant 0 : i32
      %cond3A_83 = arith.cmpi ne, %convert_element_type3A_81, %cond3A_82 : i32
      scf.if %cond3A_83 {
        %dma_wait3A_307 = arith.constant 0 : i32
        %dma_wait3A_308 = arith.constant 0 : i32
        %dma_wait3A_309 = tpu.memref_slice %arg7[%dma_wait3A_307, %dma_wait3A_308] : memref<100000x128xf32, #tpu.memory_space<hbm>> -> memref<160x128xf32, #tpu.memory_space<hbm>>
        %dma_wait3A_310 = arith.constant 0 : i32
        %dma_wait3A_311 = arith.constant 0 : i32
        %dma_wait3A_312 = tpu.memref_slice %arg7[%dma_wait3A_310, %dma_wait3A_311] : memref<100000x128xf32, #tpu.memory_space<hbm>> -> memref<160x128xf32, #tpu.memory_space<hbm>>
        tpu.wait_dma2 semaphore(%arg16 : memref<!tpu.dma_semaphore, #tpu.memory_space<semaphore_mem>>) src(%arg11 : memref<160x128xf32, #tpu.memory_space<vmem>>) dst(%dma_wait3A_312 : memref<160x128xf32, #tpu.memory_space<hbm>>)
      } else {
      }
      %ge3A_84 = arith.constant 0 : i32
      %ge3A_85 = arith.cmpi sge, %add3A_77, %ge3A_84 : i32
      %lt3A_86 = arith.cmpi slt, %add3A_77, %select_n3A_9 : i32
      %and3A_87 = arith.andi %ge3A_85, %lt3A_86 : i1
      %convert_element_type3A_88 = arith.extui %and3A_87 : i1 to i32
      %cond3A_89 = arith.constant 0 : i32
      %cond3A_90 = arith.cmpi ne, %convert_element_type3A_88, %cond3A_89 : i32
      scf.if %cond3A_90 {
        %mul3A_307 = arith.constant 160 : i32
        %mul3A_308 = arith.muli %add3A_77, %mul3A_307 : i32
        %dma_start3A_309 = tpu.memref_slice %arg8[%mul3A_308] : memref<3200xi32, #tpu.memory_space<vmem>> -> memref<160xi32, #tpu.memory_space<vmem>>
        %dma_start3A_310 = arith.constant 0 : i32
        %dma_start3A_311 = arith.constant 0 : i32
        %dma_start3A_312 = tpu.memref_slice %arg21[%dma_start3A_310, %dma_start3A_311] : memref<512x128xf32, #tpu.memory_space<vmem_shared>> -> memref<512x128xf32, #tpu.memory_space<vmem_shared>>
        tpu.enqueue_indirect_dma source(%dma_start3A_312 : memref<512x128xf32, #tpu.memory_space<vmem_shared>>) target(%arg11 : memref<160x128xf32, #tpu.memory_space<vmem>>) offsets(%dma_start3A_309 : memref<160xi32, #tpu.memory_space<vmem>>) semaphore(%arg16 : memref<!tpu.dma_semaphore, #tpu.memory_space<semaphore_mem>>)
      } else {
      }
      %sub3A_91 = arith.constant 3 : i32
      %sub3A_92 = arith.subi %add3A_77, %sub3A_91 : i32
      %ge3A_93 = arith.constant 0 : i32
      %ge3A_94 = arith.cmpi sge, %sub3A_92, %ge3A_93 : i32
      %lt3A_95 = arith.cmpi slt, %sub3A_92, %select_n3A_9 : i32
      %and3A_96 = arith.andi %ge3A_94, %lt3A_95 : i1
      %convert_element_type3A_97 = arith.extui %and3A_96 : i1 to i32
      %cond3A_98 = arith.constant 0 : i32
      %cond3A_99 = arith.cmpi ne, %convert_element_type3A_97, %cond3A_98 : i32
      scf.if %cond3A_99 {
        %dma_wait3A_307 = arith.constant 0 : i32
        %dma_wait3A_308 = arith.constant 0 : i32
        %dma_wait3A_309 = tpu.memref_slice %arg2[%dma_wait3A_307, %dma_wait3A_308] : memref<100000x128xf32, #tpu.memory_space<hbm>> -> memref<160x128xf32, #tpu.memory_space<hbm>>
        %dma_wait3A_310 = arith.constant 0 : i32
        %dma_wait3A_311 = arith.constant 0 : i32
        %dma_wait3A_312 = tpu.memref_slice %arg2[%dma_wait3A_310, %dma_wait3A_311] : memref<100000x128xf32, #tpu.memory_space<hbm>> -> memref<160x128xf32, #tpu.memory_space<hbm>>
        tpu.wait_dma2 semaphore(%arg18 : memref<!tpu.dma_semaphore, #tpu.memory_space<semaphore_mem>>) src(%dma_wait3A_312 : memref<160x128xf32, #tpu.memory_space<hbm>>) dst(%arg13 : memref<160x128xf32, #tpu.memory_space<vmem>>)
        %add3A_313 = arith.addi %select_n3A, %sub3A_92 : i32
        %mul3A_314 = arith.constant 160 : i32
        %mul3A_315 = arith.muli %add3A_313, %mul3A_314 : i32
        %dma_start3A_316 = arith.constant 0 : i32
        %dma_start3A_317 = tpu.memref_slice %arg7[%mul3A_315, %dma_start3A_316] : memref<100000x128xf32, #tpu.memory_space<hbm>> -> memref<160x128xf32, #tpu.memory_space<hbm>>
        %dma_start3A_318 = arith.constant 0 : i32
        %dma_start3A_319 = tpu.memref_slice %arg7[%mul3A_315, %dma_start3A_318] : memref<100000x128xf32, #tpu.memory_space<hbm>> -> memref<160x128xf32, #tpu.memory_space<hbm>>
        tpu.enqueue_dma source(%arg13 : memref<160x128xf32, #tpu.memory_space<vmem>>) target(%dma_start3A_319 : memref<160x128xf32, #tpu.memory_space<hbm>>) target_semaphore(%arg18 : memref<!tpu.dma_semaphore, #tpu.memory_space<semaphore_mem>>)
      } else {
      }
      %sub3A_100 = arith.constant 2 : i32
      %sub3A_101 = arith.subi %add3A_77, %sub3A_100 : i32
      %ge3A_102 = arith.constant 0 : i32
      %ge3A_103 = arith.cmpi sge, %sub3A_101, %ge3A_102 : i32
      %lt3A_104 = arith.cmpi slt, %sub3A_101, %select_n3A_9 : i32
      %and3A_105 = arith.andi %ge3A_103, %lt3A_104 : i1
      %convert_element_type3A_106 = arith.extui %and3A_105 : i1 to i32
      %cond3A_107 = arith.constant 0 : i32
      %cond3A_108 = arith.cmpi ne, %convert_element_type3A_106, %cond3A_107 : i32
      scf.if %cond3A_108 {
        %dma_wait3A_307 = arith.constant 0 : i32
        %dma_wait3A_308 = arith.constant 0 : i32
        %dma_wait3A_309 = tpu.memref_slice %arg21[%dma_wait3A_307, %dma_wait3A_308] : memref<512x128xf32, #tpu.memory_space<vmem_shared>> -> memref<160x128xf32, #tpu.memory_space<vmem_shared>>
        %dma_wait3A_310 = arith.constant 0 : i32
        %dma_wait3A_311 = arith.constant 0 : i32
        %dma_wait3A_312 = tpu.memref_slice %arg21[%dma_wait3A_310, %dma_wait3A_311] : memref<512x128xf32, #tpu.memory_space<vmem_shared>> -> memref<160x128xf32, #tpu.memory_space<vmem_shared>>
        tpu.wait_dma2 semaphore(%arg19 : memref<!tpu.dma_semaphore, #tpu.memory_space<semaphore_mem>>) src(%dma_wait3A_312 : memref<160x128xf32, #tpu.memory_space<vmem_shared>>) dst(%arg14 : memref<160x128xf32, #tpu.memory_space<vmem>>)
        %mul3A_313 = arith.constant 160 : i32
        %mul3A_314 = arith.muli %sub3A_101, %mul3A_313 : i32
        %dma_start3A_315 = tpu.memref_slice %arg10[%mul3A_314] : memref<3200xi32, #tpu.memory_space<vmem>> -> memref<160xi32, #tpu.memory_space<vmem>>
        %dma_start3A_316 = arith.constant 0 : i32
        %dma_start3A_317 = arith.constant 0 : i32
        %dma_start3A_318 = tpu.memref_slice %arg2[%dma_start3A_316, %dma_start3A_317] : memref<100000x128xf32, #tpu.memory_space<hbm>> -> memref<100000x128xf32, #tpu.memory_space<hbm>>
        tpu.enqueue_indirect_dma source(%dma_start3A_318 : memref<100000x128xf32, #tpu.memory_space<hbm>>) target(%arg14 : memref<160x128xf32, #tpu.memory_space<vmem>>) offsets(%dma_start3A_315 : memref<160xi32, #tpu.memory_space<vmem>>) semaphore(%arg19 : memref<!tpu.dma_semaphore, #tpu.memory_space<semaphore_mem>>) {add = true}
      } else {
      }
      %sub3A_109 = arith.constant 1 : i32
      %sub3A_110 = arith.subi %add3A_77, %sub3A_109 : i32
      %ge3A_111 = arith.constant 0 : i32
      %ge3A_112 = arith.cmpi sge, %sub3A_110, %ge3A_111 : i32
      %lt3A_113 = arith.cmpi slt, %sub3A_110, %select_n3A_9 : i32
      %and3A_114 = arith.andi %ge3A_112, %lt3A_113 : i1
      %convert_element_type3A_115 = arith.extui %and3A_114 : i1 to i32
      %cond3A_116 = arith.constant 0 : i32
      %cond3A_117 = arith.cmpi ne, %convert_element_type3A_115, %cond3A_116 : i32
      scf.if %cond3A_117 {
        %dma_wait3A_307 = arith.constant 0 : i32
        %dma_wait3A_308 = arith.constant 0 : i32
        %dma_wait3A_309 = tpu.memref_slice %arg21[%dma_wait3A_307, %dma_wait3A_308] : memref<512x128xf32, #tpu.memory_space<vmem_shared>> -> memref<160x128xf32, #tpu.memory_space<vmem_shared>>
        %dma_wait3A_310 = arith.constant 0 : i32
        %dma_wait3A_311 = arith.constant 0 : i32
        %dma_wait3A_312 = tpu.memref_slice %arg21[%dma_wait3A_310, %dma_wait3A_311] : memref<512x128xf32, #tpu.memory_space<vmem_shared>> -> memref<160x128xf32, #tpu.memory_space<vmem_shared>>
        tpu.wait_dma2 semaphore(%arg20 : memref<!tpu.dma_semaphore, #tpu.memory_space<semaphore_mem>>) src(%dma_wait3A_312 : memref<160x128xf32, #tpu.memory_space<vmem_shared>>) dst(%arg15 : memref<160x128xf32, #tpu.memory_space<vmem>>)
        %mul3A_313 = arith.constant 160 : i32
        %mul3A_314 = arith.muli %sub3A_110, %mul3A_313 : i32
        %dma_start3A_315 = tpu.memref_slice %arg9[%mul3A_314] : memref<3200xi32, #tpu.memory_space<vmem>> -> memref<160xi32, #tpu.memory_space<vmem>>
        %dma_start3A_316 = arith.constant 0 : i32
        %dma_start3A_317 = arith.constant 0 : i32
        %dma_start3A_318 = tpu.memref_slice %arg22[%dma_start3A_316, %dma_start3A_317] : memref<512x128xf32, #tpu.memory_space<vmem_shared>> -> memref<512x128xf32, #tpu.memory_space<vmem_shared>>
        tpu.enqueue_indirect_dma source(%dma_start3A_318 : memref<512x128xf32, #tpu.memory_space<vmem_shared>>) target(%arg15 : memref<160x128xf32, #tpu.memory_space<vmem>>) offsets(%dma_start3A_315 : memref<160xi32, #tpu.memory_space<vmem>>) semaphore(%arg20 : memref<!tpu.dma_semaphore, #tpu.memory_space<semaphore_mem>>) {add = true}
      } else {
      }
      %mul3A_118 = arith.constant 5 : i32
      %mul3A_119 = arith.muli %scan3A_72, %mul3A_118 : i32
      %add3A_120 = arith.constant 1 : i32
      %add3A_121 = arith.addi %mul3A_119, %add3A_120 : i32
      %sub3A_122 = arith.constant 5 : i32
      %sub3A_123 = arith.subi %add3A_121, %sub3A_122 : i32
      %ge3A_124 = arith.constant 0 : i32
      %ge3A_125 = arith.cmpi sge, %sub3A_123, %ge3A_124 : i32
      %lt3A_126 = arith.cmpi slt, %sub3A_123, %select_n3A_9 : i32
      %and3A_127 = arith.andi %ge3A_125, %lt3A_126 : i1
      %convert_element_type3A_128 = arith.extui %and3A_127 : i1 to i32
      %cond3A_129 = arith.constant 0 : i32
      %cond3A_130 = arith.cmpi ne, %convert_element_type3A_128, %cond3A_129 : i32
      scf.if %cond3A_130 {
        %dma_wait3A_307 = arith.constant 0 : i32
        %dma_wait3A_308 = arith.constant 0 : i32
        %dma_wait3A_309 = tpu.memref_slice %arg7[%dma_wait3A_307, %dma_wait3A_308] : memref<100000x128xf32, #tpu.memory_space<hbm>> -> memref<160x128xf32, #tpu.memory_space<hbm>>
        %dma_wait3A_310 = arith.constant 0 : i32
        %dma_wait3A_311 = arith.constant 0 : i32
        %dma_wait3A_312 = tpu.memref_slice %arg7[%dma_wait3A_310, %dma_wait3A_311] : memref<100000x128xf32, #tpu.memory_space<hbm>> -> memref<160x128xf32, #tpu.memory_space<hbm>>
        tpu.wait_dma2 semaphore(%arg17 : memref<!tpu.dma_semaphore, #tpu.memory_space<semaphore_mem>>) src(%arg12 : memref<160x128xf32, #tpu.memory_space<vmem>>) dst(%dma_wait3A_312 : memref<160x128xf32, #tpu.memory_space<hbm>>)
      } else {
      }
      %ge3A_131 = arith.constant 0 : i32
      %ge3A_132 = arith.cmpi sge, %add3A_121, %ge3A_131 : i32
      %lt3A_133 = arith.cmpi slt, %add3A_121, %select_n3A_9 : i32
      %and3A_134 = arith.andi %ge3A_132, %lt3A_133 : i1
      %convert_element_type3A_135 = arith.extui %and3A_134 : i1 to i32
      %cond3A_136 = arith.constant 0 : i32
      %cond3A_137 = arith.cmpi ne, %convert_element_type3A_135, %cond3A_136 : i32
      scf.if %cond3A_137 {
        %mul3A_307 = arith.constant 160 : i32
        %mul3A_308 = arith.muli %add3A_121, %mul3A_307 : i32
        %dma_start3A_309 = tpu.memref_slice %arg8[%mul3A_308] : memref<3200xi32, #tpu.memory_space<vmem>> -> memref<160xi32, #tpu.memory_space<vmem>>
        %dma_start3A_310 = arith.constant 0 : i32
        %dma_start3A_311 = arith.constant 0 : i32
        %dma_start3A_312 = tpu.memref_slice %arg21[%dma_start3A_310, %dma_start3A_311] : memref<512x128xf32, #tpu.memory_space<vmem_shared>> -> memref<512x128xf32, #tpu.memory_space<vmem_shared>>
        tpu.enqueue_indirect_dma source(%dma_start3A_312 : memref<512x128xf32, #tpu.memory_space<vmem_shared>>) target(%arg12 : memref<160x128xf32, #tpu.memory_space<vmem>>) offsets(%dma_start3A_309 : memref<160xi32, #tpu.memory_space<vmem>>) semaphore(%arg17 : memref<!tpu.dma_semaphore, #tpu.memory_space<semaphore_mem>>)
      } else {
      }
      %sub3A_138 = arith.constant 3 : i32
      %sub3A_139 = arith.subi %add3A_121, %sub3A_138 : i32
      %ge3A_140 = arith.constant 0 : i32
      %ge3A_141 = arith.cmpi sge, %sub3A_139, %ge3A_140 : i32
      %lt3A_142 = arith.cmpi slt, %sub3A_139, %select_n3A_9 : i32
      %and3A_143 = arith.andi %ge3A_141, %lt3A_142 : i1
      %convert_element_type3A_144 = arith.extui %and3A_143 : i1 to i32
      %cond3A_145 = arith.constant 0 : i32
      %cond3A_146 = arith.cmpi ne, %convert_element_type3A_144, %cond3A_145 : i32
      scf.if %cond3A_146 {
        %dma_wait3A_307 = arith.constant 0 : i32
        %dma_wait3A_308 = arith.constant 0 : i32
        %dma_wait3A_309 = tpu.memref_slice %arg2[%dma_wait3A_307, %dma_wait3A_308] : memref<100000x128xf32, #tpu.memory_space<hbm>> -> memref<160x128xf32, #tpu.memory_space<hbm>>
        %dma_wait3A_310 = arith.constant 0 : i32
        %dma_wait3A_311 = arith.constant 0 : i32
        %dma_wait3A_312 = tpu.memref_slice %arg2[%dma_wait3A_310, %dma_wait3A_311] : memref<100000x128xf32, #tpu.memory_space<hbm>> -> memref<160x128xf32, #tpu.memory_space<hbm>>
        tpu.wait_dma2 semaphore(%arg19 : memref<!tpu.dma_semaphore, #tpu.memory_space<semaphore_mem>>) src(%dma_wait3A_312 : memref<160x128xf32, #tpu.memory_space<hbm>>) dst(%arg14 : memref<160x128xf32, #tpu.memory_space<vmem>>)
        %add3A_313 = arith.addi %select_n3A, %sub3A_139 : i32
        %mul3A_314 = arith.constant 160 : i32
        %mul3A_315 = arith.muli %add3A_313, %mul3A_314 : i32
        %dma_start3A_316 = arith.constant 0 : i32
        %dma_start3A_317 = tpu.memref_slice %arg7[%mul3A_315, %dma_start3A_316] : memref<100000x128xf32, #tpu.memory_space<hbm>> -> memref<160x128xf32, #tpu.memory_space<hbm>>
        %dma_start3A_318 = arith.constant 0 : i32
        %dma_start3A_319 = tpu.memref_slice %arg7[%mul3A_315, %dma_start3A_318] : memref<100000x128xf32, #tpu.memory_space<hbm>> -> memref<160x128xf32, #tpu.memory_space<hbm>>
        tpu.enqueue_dma source(%arg14 : memref<160x128xf32, #tpu.memory_space<vmem>>) target(%dma_start3A_319 : memref<160x128xf32, #tpu.memory_space<hbm>>) target_semaphore(%arg19 : memref<!tpu.dma_semaphore, #tpu.memory_space<semaphore_mem>>)
      } else {
      }
      %sub3A_147 = arith.constant 2 : i32
      %sub3A_148 = arith.subi %add3A_121, %sub3A_147 : i32
      %ge3A_149 = arith.constant 0 : i32
      %ge3A_150 = arith.cmpi sge, %sub3A_148, %ge3A_149 : i32
      %lt3A_151 = arith.cmpi slt, %sub3A_148, %select_n3A_9 : i32
      %and3A_152 = arith.andi %ge3A_150, %lt3A_151 : i1
      %convert_element_type3A_153 = arith.extui %and3A_152 : i1 to i32
      %cond3A_154 = arith.constant 0 : i32
      %cond3A_155 = arith.cmpi ne, %convert_element_type3A_153, %cond3A_154 : i32
      scf.if %cond3A_155 {
        %dma_wait3A_307 = arith.constant 0 : i32
        %dma_wait3A_308 = arith.constant 0 : i32
        %dma_wait3A_309 = tpu.memref_slice %arg21[%dma_wait3A_307, %dma_wait3A_308] : memref<512x128xf32, #tpu.memory_space<vmem_shared>> -> memref<160x128xf32, #tpu.memory_space<vmem_shared>>
        %dma_wait3A_310 = arith.constant 0 : i32
        %dma_wait3A_311 = arith.constant 0 : i32
        %dma_wait3A_312 = tpu.memref_slice %arg21[%dma_wait3A_310, %dma_wait3A_311] : memref<512x128xf32, #tpu.memory_space<vmem_shared>> -> memref<160x128xf32, #tpu.memory_space<vmem_shared>>
        tpu.wait_dma2 semaphore(%arg20 : memref<!tpu.dma_semaphore, #tpu.memory_space<semaphore_mem>>) src(%dma_wait3A_312 : memref<160x128xf32, #tpu.memory_space<vmem_shared>>) dst(%arg15 : memref<160x128xf32, #tpu.memory_space<vmem>>)
        %mul3A_313 = arith.constant 160 : i32
        %mul3A_314 = arith.muli %sub3A_148, %mul3A_313 : i32
        %dma_start3A_315 = tpu.memref_slice %arg10[%mul3A_314] : memref<3200xi32, #tpu.memory_space<vmem>> -> memref<160xi32, #tpu.memory_space<vmem>>
        %dma_start3A_316 = arith.constant 0 : i32
        %dma_start3A_317 = arith.constant 0 : i32
        %dma_start3A_318 = tpu.memref_slice %arg2[%dma_start3A_316, %dma_start3A_317] : memref<100000x128xf32, #tpu.memory_space<hbm>> -> memref<100000x128xf32, #tpu.memory_space<hbm>>
        tpu.enqueue_indirect_dma source(%dma_start3A_318 : memref<100000x128xf32, #tpu.memory_space<hbm>>) target(%arg15 : memref<160x128xf32, #tpu.memory_space<vmem>>) offsets(%dma_start3A_315 : memref<160xi32, #tpu.memory_space<vmem>>) semaphore(%arg20 : memref<!tpu.dma_semaphore, #tpu.memory_space<semaphore_mem>>) {add = true}
      } else {
      }
      %sub3A_156 = arith.constant 1 : i32
      %sub3A_157 = arith.subi %add3A_121, %sub3A_156 : i32
      %ge3A_158 = arith.constant 0 : i32
      %ge3A_159 = arith.cmpi sge, %sub3A_157, %ge3A_158 : i32
      %lt3A_160 = arith.cmpi slt, %sub3A_157, %select_n3A_9 : i32
      %and3A_161 = arith.andi %ge3A_159, %lt3A_160 : i1
      %convert_element_type3A_162 = arith.extui %and3A_161 : i1 to i32
      %cond3A_163 = arith.constant 0 : i32
      %cond3A_164 = arith.cmpi ne, %convert_element_type3A_162, %cond3A_163 : i32
      scf.if %cond3A_164 {
        %dma_wait3A_307 = arith.constant 0 : i32
        %dma_wait3A_308 = arith.constant 0 : i32
        %dma_wait3A_309 = tpu.memref_slice %arg21[%dma_wait3A_307, %dma_wait3A_308] : memref<512x128xf32, #tpu.memory_space<vmem_shared>> -> memref<160x128xf32, #tpu.memory_space<vmem_shared>>
        %dma_wait3A_310 = arith.constant 0 : i32
        %dma_wait3A_311 = arith.constant 0 : i32
        %dma_wait3A_312 = tpu.memref_slice %arg21[%dma_wait3A_310, %dma_wait3A_311] : memref<512x128xf32, #tpu.memory_space<vmem_shared>> -> memref<160x128xf32, #tpu.memory_space<vmem_shared>>
        tpu.wait_dma2 semaphore(%arg16 : memref<!tpu.dma_semaphore, #tpu.memory_space<semaphore_mem>>) src(%dma_wait3A_312 : memref<160x128xf32, #tpu.memory_space<vmem_shared>>) dst(%arg11 : memref<160x128xf32, #tpu.memory_space<vmem>>)
        %mul3A_313 = arith.constant 160 : i32
        %mul3A_314 = arith.muli %sub3A_157, %mul3A_313 : i32
        %dma_start3A_315 = tpu.memref_slice %arg9[%mul3A_314] : memref<3200xi32, #tpu.memory_space<vmem>> -> memref<160xi32, #tpu.memory_space<vmem>>
        %dma_start3A_316 = arith.constant 0 : i32
        %dma_start3A_317 = arith.constant 0 : i32
        %dma_start3A_318 = tpu.memref_slice %arg22[%dma_start3A_316, %dma_start3A_317] : memref<512x128xf32, #tpu.memory_space<vmem_shared>> -> memref<512x128xf32, #tpu.memory_space<vmem_shared>>
        tpu.enqueue_indirect_dma source(%dma_start3A_318 : memref<512x128xf32, #tpu.memory_space<vmem_shared>>) target(%arg11 : memref<160x128xf32, #tpu.memory_space<vmem>>) offsets(%dma_start3A_315 : memref<160xi32, #tpu.memory_space<vmem>>) semaphore(%arg16 : memref<!tpu.dma_semaphore, #tpu.memory_space<semaphore_mem>>) {add = true}
      } else {
      }
      %mul3A_165 = arith.constant 5 : i32
      %mul3A_166 = arith.muli %scan3A_72, %mul3A_165 : i32
      %add3A_167 = arith.constant 2 : i32
      %add3A_168 = arith.addi %mul3A_166, %add3A_167 : i32
      %sub3A_169 = arith.constant 5 : i32
      %sub3A_170 = arith.subi %add3A_168, %sub3A_169 : i32
      %ge3A_171 = arith.constant 0 : i32
      %ge3A_172 = arith.cmpi sge, %sub3A_170, %ge3A_171 : i32
      %lt3A_173 = arith.cmpi slt, %sub3A_170, %select_n3A_9 : i32
      %and3A_174 = arith.andi %ge3A_172, %lt3A_173 : i1
      %convert_element_type3A_175 = arith.extui %and3A_174 : i1 to i32
      %cond3A_176 = arith.constant 0 : i32
      %cond3A_177 = arith.cmpi ne, %convert_element_type3A_175, %cond3A_176 : i32
      scf.if %cond3A_177 {
        %dma_wait3A_307 = arith.constant 0 : i32
        %dma_wait3A_308 = arith.constant 0 : i32
        %dma_wait3A_309 = tpu.memref_slice %arg7[%dma_wait3A_307, %dma_wait3A_308] : memref<100000x128xf32, #tpu.memory_space<hbm>> -> memref<160x128xf32, #tpu.memory_space<hbm>>
        %dma_wait3A_310 = arith.constant 0 : i32
        %dma_wait3A_311 = arith.constant 0 : i32
        %dma_wait3A_312 = tpu.memref_slice %arg7[%dma_wait3A_310, %dma_wait3A_311] : memref<100000x128xf32, #tpu.memory_space<hbm>> -> memref<160x128xf32, #tpu.memory_space<hbm>>
        tpu.wait_dma2 semaphore(%arg18 : memref<!tpu.dma_semaphore, #tpu.memory_space<semaphore_mem>>) src(%arg13 : memref<160x128xf32, #tpu.memory_space<vmem>>) dst(%dma_wait3A_312 : memref<160x128xf32, #tpu.memory_space<hbm>>)
      } else {
      }
      %ge3A_178 = arith.constant 0 : i32
      %ge3A_179 = arith.cmpi sge, %add3A_168, %ge3A_178 : i32
      %lt3A_180 = arith.cmpi slt, %add3A_168, %select_n3A_9 : i32
      %and3A_181 = arith.andi %ge3A_179, %lt3A_180 : i1
      %convert_element_type3A_182 = arith.extui %and3A_181 : i1 to i32
      %cond3A_183 = arith.constant 0 : i32
      %cond3A_184 = arith.cmpi ne, %convert_element_type3A_182, %cond3A_183 : i32
      scf.if %cond3A_184 {
        %mul3A_307 = arith.constant 160 : i32
        %mul3A_308 = arith.muli %add3A_168, %mul3A_307 : i32
        %dma_start3A_309 = tpu.memref_slice %arg8[%mul3A_308] : memref<3200xi32, #tpu.memory_space<vmem>> -> memref<160xi32, #tpu.memory_space<vmem>>
        %dma_start3A_310 = arith.constant 0 : i32
        %dma_start3A_311 = arith.constant 0 : i32
        %dma_start3A_312 = tpu.memref_slice %arg21[%dma_start3A_310, %dma_start3A_311] : memref<512x128xf32, #tpu.memory_space<vmem_shared>> -> memref<512x128xf32, #tpu.memory_space<vmem_shared>>
        tpu.enqueue_indirect_dma source(%dma_start3A_312 : memref<512x128xf32, #tpu.memory_space<vmem_shared>>) target(%arg13 : memref<160x128xf32, #tpu.memory_space<vmem>>) offsets(%dma_start3A_309 : memref<160xi32, #tpu.memory_space<vmem>>) semaphore(%arg18 : memref<!tpu.dma_semaphore, #tpu.memory_space<semaphore_mem>>)
      } else {
      }
      %sub3A_185 = arith.constant 3 : i32
      %sub3A_186 = arith.subi %add3A_168, %sub3A_185 : i32
      %ge3A_187 = arith.constant 0 : i32
      %ge3A_188 = arith.cmpi sge, %sub3A_186, %ge3A_187 : i32
      %lt3A_189 = arith.cmpi slt, %sub3A_186, %select_n3A_9 : i32
      %and3A_190 = arith.andi %ge3A_188, %lt3A_189 : i1
      %convert_element_type3A_191 = arith.extui %and3A_190 : i1 to i32
      %cond3A_192 = arith.constant 0 : i32
      %cond3A_193 = arith.cmpi ne, %convert_element_type3A_191, %cond3A_192 : i32
      scf.if %cond3A_193 {
        %dma_wait3A_307 = arith.constant 0 : i32
        %dma_wait3A_308 = arith.constant 0 : i32
        %dma_wait3A_309 = tpu.memref_slice %arg2[%dma_wait3A_307, %dma_wait3A_308] : memref<100000x128xf32, #tpu.memory_space<hbm>> -> memref<160x128xf32, #tpu.memory_space<hbm>>
        %dma_wait3A_310 = arith.constant 0 : i32
        %dma_wait3A_311 = arith.constant 0 : i32
        %dma_wait3A_312 = tpu.memref_slice %arg2[%dma_wait3A_310, %dma_wait3A_311] : memref<100000x128xf32, #tpu.memory_space<hbm>> -> memref<160x128xf32, #tpu.memory_space<hbm>>
        tpu.wait_dma2 semaphore(%arg20 : memref<!tpu.dma_semaphore, #tpu.memory_space<semaphore_mem>>) src(%dma_wait3A_312 : memref<160x128xf32, #tpu.memory_space<hbm>>) dst(%arg15 : memref<160x128xf32, #tpu.memory_space<vmem>>)
        %add3A_313 = arith.addi %select_n3A, %sub3A_186 : i32
        %mul3A_314 = arith.constant 160 : i32
        %mul3A_315 = arith.muli %add3A_313, %mul3A_314 : i32
        %dma_start3A_316 = arith.constant 0 : i32
        %dma_start3A_317 = tpu.memref_slice %arg7[%mul3A_315, %dma_start3A_316] : memref<100000x128xf32, #tpu.memory_space<hbm>> -> memref<160x128xf32, #tpu.memory_space<hbm>>
        %dma_start3A_318 = arith.constant 0 : i32
        %dma_start3A_319 = tpu.memref_slice %arg7[%mul3A_315, %dma_start3A_318] : memref<100000x128xf32, #tpu.memory_space<hbm>> -> memref<160x128xf32, #tpu.memory_space<hbm>>
        tpu.enqueue_dma source(%arg15 : memref<160x128xf32, #tpu.memory_space<vmem>>) target(%dma_start3A_319 : memref<160x128xf32, #tpu.memory_space<hbm>>) target_semaphore(%arg20 : memref<!tpu.dma_semaphore, #tpu.memory_space<semaphore_mem>>)
      } else {
      }
      %sub3A_194 = arith.constant 2 : i32
      %sub3A_195 = arith.subi %add3A_168, %sub3A_194 : i32
      %ge3A_196 = arith.constant 0 : i32
      %ge3A_197 = arith.cmpi sge, %sub3A_195, %ge3A_196 : i32
      %lt3A_198 = arith.cmpi slt, %sub3A_195, %select_n3A_9 : i32
      %and3A_199 = arith.andi %ge3A_197, %lt3A_198 : i1
      %convert_element_type3A_200 = arith.extui %and3A_199 : i1 to i32
      %cond3A_201 = arith.constant 0 : i32
      %cond3A_202 = arith.cmpi ne, %convert_element_type3A_200, %cond3A_201 : i32
      scf.if %cond3A_202 {
        %dma_wait3A_307 = arith.constant 0 : i32
        %dma_wait3A_308 = arith.constant 0 : i32
        %dma_wait3A_309 = tpu.memref_slice %arg21[%dma_wait3A_307, %dma_wait3A_308] : memref<512x128xf32, #tpu.memory_space<vmem_shared>> -> memref<160x128xf32, #tpu.memory_space<vmem_shared>>
        %dma_wait3A_310 = arith.constant 0 : i32
        %dma_wait3A_311 = arith.constant 0 : i32
        %dma_wait3A_312 = tpu.memref_slice %arg21[%dma_wait3A_310, %dma_wait3A_311] : memref<512x128xf32, #tpu.memory_space<vmem_shared>> -> memref<160x128xf32, #tpu.memory_space<vmem_shared>>
        tpu.wait_dma2 semaphore(%arg16 : memref<!tpu.dma_semaphore, #tpu.memory_space<semaphore_mem>>) src(%dma_wait3A_312 : memref<160x128xf32, #tpu.memory_space<vmem_shared>>) dst(%arg11 : memref<160x128xf32, #tpu.memory_space<vmem>>)
        %mul3A_313 = arith.constant 160 : i32
        %mul3A_314 = arith.muli %sub3A_195, %mul3A_313 : i32
        %dma_start3A_315 = tpu.memref_slice %arg10[%mul3A_314] : memref<3200xi32, #tpu.memory_space<vmem>> -> memref<160xi32, #tpu.memory_space<vmem>>
        %dma_start3A_316 = arith.constant 0 : i32
        %dma_start3A_317 = arith.constant 0 : i32
        %dma_start3A_318 = tpu.memref_slice %arg2[%dma_start3A_316, %dma_start3A_317] : memref<100000x128xf32, #tpu.memory_space<hbm>> -> memref<100000x128xf32, #tpu.memory_space<hbm>>
        tpu.enqueue_indirect_dma source(%dma_start3A_318 : memref<100000x128xf32, #tpu.memory_space<hbm>>) target(%arg11 : memref<160x128xf32, #tpu.memory_space<vmem>>) offsets(%dma_start3A_315 : memref<160xi32, #tpu.memory_space<vmem>>) semaphore(%arg16 : memref<!tpu.dma_semaphore, #tpu.memory_space<semaphore_mem>>) {add = true}
      } else {
      }
      %sub3A_203 = arith.constant 1 : i32
      %sub3A_204 = arith.subi %add3A_168, %sub3A_203 : i32
      %ge3A_205 = arith.constant 0 : i32
      %ge3A_206 = arith.cmpi sge, %sub3A_204, %ge3A_205 : i32
      %lt3A_207 = arith.cmpi slt, %sub3A_204, %select_n3A_9 : i32
      %and3A_208 = arith.andi %ge3A_206, %lt3A_207 : i1
      %convert_element_type3A_209 = arith.extui %and3A_208 : i1 to i32
      %cond3A_210 = arith.constant 0 : i32
      %cond3A_211 = arith.cmpi ne, %convert_element_type3A_209, %cond3A_210 : i32
      scf.if %cond3A_211 {
        %dma_wait3A_307 = arith.constant 0 : i32
        %dma_wait3A_308 = arith.constant 0 : i32
        %dma_wait3A_309 = tpu.memref_slice %arg21[%dma_wait3A_307, %dma_wait3A_308] : memref<512x128xf32, #tpu.memory_space<vmem_shared>> -> memref<160x128xf32, #tpu.memory_space<vmem_shared>>
        %dma_wait3A_310 = arith.constant 0 : i32
        %dma_wait3A_311 = arith.constant 0 : i32
        %dma_wait3A_312 = tpu.memref_slice %arg21[%dma_wait3A_310, %dma_wait3A_311] : memref<512x128xf32, #tpu.memory_space<vmem_shared>> -> memref<160x128xf32, #tpu.memory_space<vmem_shared>>
        tpu.wait_dma2 semaphore(%arg17 : memref<!tpu.dma_semaphore, #tpu.memory_space<semaphore_mem>>) src(%dma_wait3A_312 : memref<160x128xf32, #tpu.memory_space<vmem_shared>>) dst(%arg12 : memref<160x128xf32, #tpu.memory_space<vmem>>)
        %mul3A_313 = arith.constant 160 : i32
        %mul3A_314 = arith.muli %sub3A_204, %mul3A_313 : i32
        %dma_start3A_315 = tpu.memref_slice %arg9[%mul3A_314] : memref<3200xi32, #tpu.memory_space<vmem>> -> memref<160xi32, #tpu.memory_space<vmem>>
        %dma_start3A_316 = arith.constant 0 : i32
        %dma_start3A_317 = arith.constant 0 : i32
        %dma_start3A_318 = tpu.memref_slice %arg22[%dma_start3A_316, %dma_start3A_317] : memref<512x128xf32, #tpu.memory_space<vmem_shared>> -> memref<512x128xf32, #tpu.memory_space<vmem_shared>>
        tpu.enqueue_indirect_dma source(%dma_start3A_318 : memref<512x128xf32, #tpu.memory_space<vmem_shared>>) target(%arg12 : memref<160x128xf32, #tpu.memory_space<vmem>>) offsets(%dma_start3A_315 : memref<160xi32, #tpu.memory_space<vmem>>) semaphore(%arg17 : memref<!tpu.dma_semaphore, #tpu.memory_space<semaphore_mem>>) {add = true}
      } else {
      }
      %mul3A_212 = arith.constant 5 : i32
      %mul3A_213 = arith.muli %scan3A_72, %mul3A_212 : i32
      %add3A_214 = arith.constant 3 : i32
      %add3A_215 = arith.addi %mul3A_213, %add3A_214 : i32
      %sub3A_216 = arith.constant 5 : i32
      %sub3A_217 = arith.subi %add3A_215, %sub3A_216 : i32
      %ge3A_218 = arith.constant 0 : i32
      %ge3A_219 = arith.cmpi sge, %sub3A_217, %ge3A_218 : i32
      %lt3A_220 = arith.cmpi slt, %sub3A_217, %select_n3A_9 : i32
      %and3A_221 = arith.andi %ge3A_219, %lt3A_220 : i1
      %convert_element_type3A_222 = arith.extui %and3A_221 : i1 to i32
      %cond3A_223 = arith.constant 0 : i32
      %cond3A_224 = arith.cmpi ne, %convert_element_type3A_222, %cond3A_223 : i32
      scf.if %cond3A_224 {
        %dma_wait3A_307 = arith.constant 0 : i32
        %dma_wait3A_308 = arith.constant 0 : i32
        %dma_wait3A_309 = tpu.memref_slice %arg7[%dma_wait3A_307, %dma_wait3A_308] : memref<100000x128xf32, #tpu.memory_space<hbm>> -> memref<160x128xf32, #tpu.memory_space<hbm>>
        %dma_wait3A_310 = arith.constant 0 : i32
        %dma_wait3A_311 = arith.constant 0 : i32
        %dma_wait3A_312 = tpu.memref_slice %arg7[%dma_wait3A_310, %dma_wait3A_311] : memref<100000x128xf32, #tpu.memory_space<hbm>> -> memref<160x128xf32, #tpu.memory_space<hbm>>
        tpu.wait_dma2 semaphore(%arg19 : memref<!tpu.dma_semaphore, #tpu.memory_space<semaphore_mem>>) src(%arg14 : memref<160x128xf32, #tpu.memory_space<vmem>>) dst(%dma_wait3A_312 : memref<160x128xf32, #tpu.memory_space<hbm>>)
      } else {
      }
      %ge3A_225 = arith.constant 0 : i32
      %ge3A_226 = arith.cmpi sge, %add3A_215, %ge3A_225 : i32
      %lt3A_227 = arith.cmpi slt, %add3A_215, %select_n3A_9 : i32
      %and3A_228 = arith.andi %ge3A_226, %lt3A_227 : i1
      %convert_element_type3A_229 = arith.extui %and3A_228 : i1 to i32
      %cond3A_230 = arith.constant 0 : i32
      %cond3A_231 = arith.cmpi ne, %convert_element_type3A_229, %cond3A_230 : i32
      scf.if %cond3A_231 {
        %mul3A_307 = arith.constant 160 : i32
        %mul3A_308 = arith.muli %add3A_215, %mul3A_307 : i32
        %dma_start3A_309 = tpu.memref_slice %arg8[%mul3A_308] : memref<3200xi32, #tpu.memory_space<vmem>> -> memref<160xi32, #tpu.memory_space<vmem>>
        %dma_start3A_310 = arith.constant 0 : i32
        %dma_start3A_311 = arith.constant 0 : i32
        %dma_start3A_312 = tpu.memref_slice %arg21[%dma_start3A_310, %dma_start3A_311] : memref<512x128xf32, #tpu.memory_space<vmem_shared>> -> memref<512x128xf32, #tpu.memory_space<vmem_shared>>
        tpu.enqueue_indirect_dma source(%dma_start3A_312 : memref<512x128xf32, #tpu.memory_space<vmem_shared>>) target(%arg14 : memref<160x128xf32, #tpu.memory_space<vmem>>) offsets(%dma_start3A_309 : memref<160xi32, #tpu.memory_space<vmem>>) semaphore(%arg19 : memref<!tpu.dma_semaphore, #tpu.memory_space<semaphore_mem>>)
      } else {
      }
      %sub3A_232 = arith.constant 3 : i32
      %sub3A_233 = arith.subi %add3A_215, %sub3A_232 : i32
      %ge3A_234 = arith.constant 0 : i32
      %ge3A_235 = arith.cmpi sge, %sub3A_233, %ge3A_234 : i32
      %lt3A_236 = arith.cmpi slt, %sub3A_233, %select_n3A_9 : i32
      %and3A_237 = arith.andi %ge3A_235, %lt3A_236 : i1
      %convert_element_type3A_238 = arith.extui %and3A_237 : i1 to i32
      %cond3A_239 = arith.constant 0 : i32
      %cond3A_240 = arith.cmpi ne, %convert_element_type3A_238, %cond3A_239 : i32
      scf.if %cond3A_240 {
        %dma_wait3A_307 = arith.constant 0 : i32
        %dma_wait3A_308 = arith.constant 0 : i32
        %dma_wait3A_309 = tpu.memref_slice %arg2[%dma_wait3A_307, %dma_wait3A_308] : memref<100000x128xf32, #tpu.memory_space<hbm>> -> memref<160x128xf32, #tpu.memory_space<hbm>>
        %dma_wait3A_310 = arith.constant 0 : i32
        %dma_wait3A_311 = arith.constant 0 : i32
        %dma_wait3A_312 = tpu.memref_slice %arg2[%dma_wait3A_310, %dma_wait3A_311] : memref<100000x128xf32, #tpu.memory_space<hbm>> -> memref<160x128xf32, #tpu.memory_space<hbm>>
        tpu.wait_dma2 semaphore(%arg16 : memref<!tpu.dma_semaphore, #tpu.memory_space<semaphore_mem>>) src(%dma_wait3A_312 : memref<160x128xf32, #tpu.memory_space<hbm>>) dst(%arg11 : memref<160x128xf32, #tpu.memory_space<vmem>>)
        %add3A_313 = arith.addi %select_n3A, %sub3A_233 : i32
        %mul3A_314 = arith.constant 160 : i32
        %mul3A_315 = arith.muli %add3A_313, %mul3A_314 : i32
        %dma_start3A_316 = arith.constant 0 : i32
        %dma_start3A_317 = tpu.memref_slice %arg7[%mul3A_315, %dma_start3A_316] : memref<100000x128xf32, #tpu.memory_space<hbm>> -> memref<160x128xf32, #tpu.memory_space<hbm>>
        %dma_start3A_318 = arith.constant 0 : i32
        %dma_start3A_319 = tpu.memref_slice %arg7[%mul3A_315, %dma_start3A_318] : memref<100000x128xf32, #tpu.memory_space<hbm>> -> memref<160x128xf32, #tpu.memory_space<hbm>>
        tpu.enqueue_dma source(%arg11 : memref<160x128xf32, #tpu.memory_space<vmem>>) target(%dma_start3A_319 : memref<160x128xf32, #tpu.memory_space<hbm>>) target_semaphore(%arg16 : memref<!tpu.dma_semaphore, #tpu.memory_space<semaphore_mem>>)
      } else {
      }
      %sub3A_241 = arith.constant 2 : i32
      %sub3A_242 = arith.subi %add3A_215, %sub3A_241 : i32
      %ge3A_243 = arith.constant 0 : i32
      %ge3A_244 = arith.cmpi sge, %sub3A_242, %ge3A_243 : i32
      %lt3A_245 = arith.cmpi slt, %sub3A_242, %select_n3A_9 : i32
      %and3A_246 = arith.andi %ge3A_244, %lt3A_245 : i1
      %convert_element_type3A_247 = arith.extui %and3A_246 : i1 to i32
      %cond3A_248 = arith.constant 0 : i32
      %cond3A_249 = arith.cmpi ne, %convert_element_type3A_247, %cond3A_248 : i32
      scf.if %cond3A_249 {
        %dma_wait3A_307 = arith.constant 0 : i32
        %dma_wait3A_308 = arith.constant 0 : i32
        %dma_wait3A_309 = tpu.memref_slice %arg21[%dma_wait3A_307, %dma_wait3A_308] : memref<512x128xf32, #tpu.memory_space<vmem_shared>> -> memref<160x128xf32, #tpu.memory_space<vmem_shared>>
        %dma_wait3A_310 = arith.constant 0 : i32
        %dma_wait3A_311 = arith.constant 0 : i32
        %dma_wait3A_312 = tpu.memref_slice %arg21[%dma_wait3A_310, %dma_wait3A_311] : memref<512x128xf32, #tpu.memory_space<vmem_shared>> -> memref<160x128xf32, #tpu.memory_space<vmem_shared>>
        tpu.wait_dma2 semaphore(%arg17 : memref<!tpu.dma_semaphore, #tpu.memory_space<semaphore_mem>>) src(%dma_wait3A_312 : memref<160x128xf32, #tpu.memory_space<vmem_shared>>) dst(%arg12 : memref<160x128xf32, #tpu.memory_space<vmem>>)
        %mul3A_313 = arith.constant 160 : i32
        %mul3A_314 = arith.muli %sub3A_242, %mul3A_313 : i32
        %dma_start3A_315 = tpu.memref_slice %arg10[%mul3A_314] : memref<3200xi32, #tpu.memory_space<vmem>> -> memref<160xi32, #tpu.memory_space<vmem>>
        %dma_start3A_316 = arith.constant 0 : i32
        %dma_start3A_317 = arith.constant 0 : i32
        %dma_start3A_318 = tpu.memref_slice %arg2[%dma_start3A_316, %dma_start3A_317] : memref<100000x128xf32, #tpu.memory_space<hbm>> -> memref<100000x128xf32, #tpu.memory_space<hbm>>
        tpu.enqueue_indirect_dma source(%dma_start3A_318 : memref<100000x128xf32, #tpu.memory_space<hbm>>) target(%arg12 : memref<160x128xf32, #tpu.memory_space<vmem>>) offsets(%dma_start3A_315 : memref<160xi32, #tpu.memory_space<vmem>>) semaphore(%arg17 : memref<!tpu.dma_semaphore, #tpu.memory_space<semaphore_mem>>) {add = true}
      } else {
      }
      %sub3A_250 = arith.constant 1 : i32
      %sub3A_251 = arith.subi %add3A_215, %sub3A_250 : i32
      %ge3A_252 = arith.constant 0 : i32
      %ge3A_253 = arith.cmpi sge, %sub3A_251, %ge3A_252 : i32
      %lt3A_254 = arith.cmpi slt, %sub3A_251, %select_n3A_9 : i32
      %and3A_255 = arith.andi %ge3A_253, %lt3A_254 : i1
      %convert_element_type3A_256 = arith.extui %and3A_255 : i1 to i32
      %cond3A_257 = arith.constant 0 : i32
      %cond3A_258 = arith.cmpi ne, %convert_element_type3A_256, %cond3A_257 : i32
      scf.if %cond3A_258 {
        %dma_wait3A_307 = arith.constant 0 : i32
        %dma_wait3A_308 = arith.constant 0 : i32
        %dma_wait3A_309 = tpu.memref_slice %arg21[%dma_wait3A_307, %dma_wait3A_308] : memref<512x128xf32, #tpu.memory_space<vmem_shared>> -> memref<160x128xf32, #tpu.memory_space<vmem_shared>>
        %dma_wait3A_310 = arith.constant 0 : i32
        %dma_wait3A_311 = arith.constant 0 : i32
        %dma_wait3A_312 = tpu.memref_slice %arg21[%dma_wait3A_310, %dma_wait3A_311] : memref<512x128xf32, #tpu.memory_space<vmem_shared>> -> memref<160x128xf32, #tpu.memory_space<vmem_shared>>
        tpu.wait_dma2 semaphore(%arg18 : memref<!tpu.dma_semaphore, #tpu.memory_space<semaphore_mem>>) src(%dma_wait3A_312 : memref<160x128xf32, #tpu.memory_space<vmem_shared>>) dst(%arg13 : memref<160x128xf32, #tpu.memory_space<vmem>>)
        %mul3A_313 = arith.constant 160 : i32
        %mul3A_314 = arith.muli %sub3A_251, %mul3A_313 : i32
        %dma_start3A_315 = tpu.memref_slice %arg9[%mul3A_314] : memref<3200xi32, #tpu.memory_space<vmem>> -> memref<160xi32, #tpu.memory_space<vmem>>
        %dma_start3A_316 = arith.constant 0 : i32
        %dma_start3A_317 = arith.constant 0 : i32
        %dma_start3A_318 = tpu.memref_slice %arg22[%dma_start3A_316, %dma_start3A_317] : memref<512x128xf32, #tpu.memory_space<vmem_shared>> -> memref<512x128xf32, #tpu.memory_space<vmem_shared>>
        tpu.enqueue_indirect_dma source(%dma_start3A_318 : memref<512x128xf32, #tpu.memory_space<vmem_shared>>) target(%arg13 : memref<160x128xf32, #tpu.memory_space<vmem>>) offsets(%dma_start3A_315 : memref<160xi32, #tpu.memory_space<vmem>>) semaphore(%arg18 : memref<!tpu.dma_semaphore, #tpu.memory_space<semaphore_mem>>) {add = true}
      } else {
      }
      %mul3A_259 = arith.constant 5 : i32
      %mul3A_260 = arith.muli %scan3A_72, %mul3A_259 : i32
      %add3A_261 = arith.constant 4 : i32
      %add3A_262 = arith.addi %mul3A_260, %add3A_261 : i32
      %sub3A_263 = arith.constant 5 : i32
      %sub3A_264 = arith.subi %add3A_262, %sub3A_263 : i32
      %ge3A_265 = arith.constant 0 : i32
      %ge3A_266 = arith.cmpi sge, %sub3A_264, %ge3A_265 : i32
      %lt3A_267 = arith.cmpi slt, %sub3A_264, %select_n3A_9 : i32
      %and3A_268 = arith.andi %ge3A_266, %lt3A_267 : i1
      %convert_element_type3A_269 = arith.extui %and3A_268 : i1 to i32
      %cond3A_270 = arith.constant 0 : i32
      %cond3A_271 = arith.cmpi ne, %convert_element_type3A_269, %cond3A_270 : i32
      scf.if %cond3A_271 {
        %dma_wait3A_307 = arith.constant 0 : i32
        %dma_wait3A_308 = arith.constant 0 : i32
        %dma_wait3A_309 = tpu.memref_slice %arg7[%dma_wait3A_307, %dma_wait3A_308] : memref<100000x128xf32, #tpu.memory_space<hbm>> -> memref<160x128xf32, #tpu.memory_space<hbm>>
        %dma_wait3A_310 = arith.constant 0 : i32
        %dma_wait3A_311 = arith.constant 0 : i32
        %dma_wait3A_312 = tpu.memref_slice %arg7[%dma_wait3A_310, %dma_wait3A_311] : memref<100000x128xf32, #tpu.memory_space<hbm>> -> memref<160x128xf32, #tpu.memory_space<hbm>>
        tpu.wait_dma2 semaphore(%arg20 : memref<!tpu.dma_semaphore, #tpu.memory_space<semaphore_mem>>) src(%arg15 : memref<160x128xf32, #tpu.memory_space<vmem>>) dst(%dma_wait3A_312 : memref<160x128xf32, #tpu.memory_space<hbm>>)
      } else {
      }
      %ge3A_272 = arith.constant 0 : i32
      %ge3A_273 = arith.cmpi sge, %add3A_262, %ge3A_272 : i32
      %lt3A_274 = arith.cmpi slt, %add3A_262, %select_n3A_9 : i32
      %and3A_275 = arith.andi %ge3A_273, %lt3A_274 : i1
      %convert_element_type3A_276 = arith.extui %and3A_275 : i1 to i32
      %cond3A_277 = arith.constant 0 : i32
      %cond3A_278 = arith.cmpi ne, %convert_element_type3A_276, %cond3A_277 : i32
      scf.if %cond3A_278 {
        %mul3A_307 = arith.constant 160 : i32
        %mul3A_308 = arith.muli %add3A_262, %mul3A_307 : i32
        %dma_start3A_309 = tpu.memref_slice %arg8[%mul3A_308] : memref<3200xi32, #tpu.memory_space<vmem>> -> memref<160xi32, #tpu.memory_space<vmem>>
        %dma_start3A_310 = arith.constant 0 : i32
        %dma_start3A_311 = arith.constant 0 : i32
        %dma_start3A_312 = tpu.memref_slice %arg21[%dma_start3A_310, %dma_start3A_311] : memref<512x128xf32, #tpu.memory_space<vmem_shared>> -> memref<512x128xf32, #tpu.memory_space<vmem_shared>>
        tpu.enqueue_indirect_dma source(%dma_start3A_312 : memref<512x128xf32, #tpu.memory_space<vmem_shared>>) target(%arg15 : memref<160x128xf32, #tpu.memory_space<vmem>>) offsets(%dma_start3A_309 : memref<160xi32, #tpu.memory_space<vmem>>) semaphore(%arg20 : memref<!tpu.dma_semaphore, #tpu.memory_space<semaphore_mem>>)
      } else {
      }
      %sub3A_279 = arith.constant 3 : i32
      %sub3A_280 = arith.subi %add3A_262, %sub3A_279 : i32
      %ge3A_281 = arith.constant 0 : i32
      %ge3A_282 = arith.cmpi sge, %sub3A_280, %ge3A_281 : i32
      %lt3A_283 = arith.cmpi slt, %sub3A_280, %select_n3A_9 : i32
      %and3A_284 = arith.andi %ge3A_282, %lt3A_283 : i1
      %convert_element_type3A_285 = arith.extui %and3A_284 : i1 to i32
      %cond3A_286 = arith.constant 0 : i32
      %cond3A_287 = arith.cmpi ne, %convert_element_type3A_285, %cond3A_286 : i32
      scf.if %cond3A_287 {
        %dma_wait3A_307 = arith.constant 0 : i32
        %dma_wait3A_308 = arith.constant 0 : i32
        %dma_wait3A_309 = tpu.memref_slice %arg2[%dma_wait3A_307, %dma_wait3A_308] : memref<100000x128xf32, #tpu.memory_space<hbm>> -> memref<160x128xf32, #tpu.memory_space<hbm>>
        %dma_wait3A_310 = arith.constant 0 : i32
        %dma_wait3A_311 = arith.constant 0 : i32
        %dma_wait3A_312 = tpu.memref_slice %arg2[%dma_wait3A_310, %dma_wait3A_311] : memref<100000x128xf32, #tpu.memory_space<hbm>> -> memref<160x128xf32, #tpu.memory_space<hbm>>
        tpu.wait_dma2 semaphore(%arg17 : memref<!tpu.dma_semaphore, #tpu.memory_space<semaphore_mem>>) src(%dma_wait3A_312 : memref<160x128xf32, #tpu.memory_space<hbm>>) dst(%arg12 : memref<160x128xf32, #tpu.memory_space<vmem>>)
        %add3A_313 = arith.addi %select_n3A, %sub3A_280 : i32
        %mul3A_314 = arith.constant 160 : i32
        %mul3A_315 = arith.muli %add3A_313, %mul3A_314 : i32
        %dma_start3A_316 = arith.constant 0 : i32
        %dma_start3A_317 = tpu.memref_slice %arg7[%mul3A_315, %dma_start3A_316] : memref<100000x128xf32, #tpu.memory_space<hbm>> -> memref<160x128xf32, #tpu.memory_space<hbm>>
        %dma_start3A_318 = arith.constant 0 : i32
        %dma_start3A_319 = tpu.memref_slice %arg7[%mul3A_315, %dma_start3A_318] : memref<100000x128xf32, #tpu.memory_space<hbm>> -> memref<160x128xf32, #tpu.memory_space<hbm>>
        tpu.enqueue_dma source(%arg12 : memref<160x128xf32, #tpu.memory_space<vmem>>) target(%dma_start3A_319 : memref<160x128xf32, #tpu.memory_space<hbm>>) target_semaphore(%arg17 : memref<!tpu.dma_semaphore, #tpu.memory_space<semaphore_mem>>)
      } else {
      }
      %sub3A_288 = arith.constant 2 : i32
      %sub3A_289 = arith.subi %add3A_262, %sub3A_288 : i32
      %ge3A_290 = arith.constant 0 : i32
      %ge3A_291 = arith.cmpi sge, %sub3A_289, %ge3A_290 : i32
      %lt3A_292 = arith.cmpi slt, %sub3A_289, %select_n3A_9 : i32
      %and3A_293 = arith.andi %ge3A_291, %lt3A_292 : i1
      %convert_element_type3A_294 = arith.extui %and3A_293 : i1 to i32
      %cond3A_295 = arith.constant 0 : i32
      %cond3A_296 = arith.cmpi ne, %convert_element_type3A_294, %cond3A_295 : i32
      scf.if %cond3A_296 {
        %dma_wait3A_307 = arith.constant 0 : i32
        %dma_wait3A_308 = arith.constant 0 : i32
        %dma_wait3A_309 = tpu.memref_slice %arg21[%dma_wait3A_307, %dma_wait3A_308] : memref<512x128xf32, #tpu.memory_space<vmem_shared>> -> memref<160x128xf32, #tpu.memory_space<vmem_shared>>
        %dma_wait3A_310 = arith.constant 0 : i32
        %dma_wait3A_311 = arith.constant 0 : i32
        %dma_wait3A_312 = tpu.memref_slice %arg21[%dma_wait3A_310, %dma_wait3A_311] : memref<512x128xf32, #tpu.memory_space<vmem_shared>> -> memref<160x128xf32, #tpu.memory_space<vmem_shared>>
        tpu.wait_dma2 semaphore(%arg18 : memref<!tpu.dma_semaphore, #tpu.memory_space<semaphore_mem>>) src(%dma_wait3A_312 : memref<160x128xf32, #tpu.memory_space<vmem_shared>>) dst(%arg13 : memref<160x128xf32, #tpu.memory_space<vmem>>)
        %mul3A_313 = arith.constant 160 : i32
        %mul3A_314 = arith.muli %sub3A_289, %mul3A_313 : i32
        %dma_start3A_315 = tpu.memref_slice %arg10[%mul3A_314] : memref<3200xi32, #tpu.memory_space<vmem>> -> memref<160xi32, #tpu.memory_space<vmem>>
        %dma_start3A_316 = arith.constant 0 : i32
        %dma_start3A_317 = arith.constant 0 : i32
        %dma_start3A_318 = tpu.memref_slice %arg2[%dma_start3A_316, %dma_start3A_317] : memref<100000x128xf32, #tpu.memory_space<hbm>> -> memref<100000x128xf32, #tpu.memory_space<hbm>>
        tpu.enqueue_indirect_dma source(%dma_start3A_318 : memref<100000x128xf32, #tpu.memory_space<hbm>>) target(%arg13 : memref<160x128xf32, #tpu.memory_space<vmem>>) offsets(%dma_start3A_315 : memref<160xi32, #tpu.memory_space<vmem>>) semaphore(%arg18 : memref<!tpu.dma_semaphore, #tpu.memory_space<semaphore_mem>>) {add = true}
      } else {
      }
      %sub3A_297 = arith.constant 1 : i32
      %sub3A_298 = arith.subi %add3A_262, %sub3A_297 : i32
      %ge3A_299 = arith.constant 0 : i32
      %ge3A_300 = arith.cmpi sge, %sub3A_298, %ge3A_299 : i32
      %lt3A_301 = arith.cmpi slt, %sub3A_298, %select_n3A_9 : i32
      %and3A_302 = arith.andi %ge3A_300, %lt3A_301 : i1
      %convert_element_type3A_303 = arith.extui %and3A_302 : i1 to i32
      %cond3A_304 = arith.constant 0 : i32
      %cond3A_305 = arith.cmpi ne, %convert_element_type3A_303, %cond3A_304 : i32
      scf.if %cond3A_305 {
        %dma_wait3A_307 = arith.constant 0 : i32
        %dma_wait3A_308 = arith.constant 0 : i32
        %dma_wait3A_309 = tpu.memref_slice %arg21[%dma_wait3A_307, %dma_wait3A_308] : memref<512x128xf32, #tpu.memory_space<vmem_shared>> -> memref<160x128xf32, #tpu.memory_space<vmem_shared>>
        %dma_wait3A_310 = arith.constant 0 : i32
        %dma_wait3A_311 = arith.constant 0 : i32
        %dma_wait3A_312 = tpu.memref_slice %arg21[%dma_wait3A_310, %dma_wait3A_311] : memref<512x128xf32, #tpu.memory_space<vmem_shared>> -> memref<160x128xf32, #tpu.memory_space<vmem_shared>>
        tpu.wait_dma2 semaphore(%arg19 : memref<!tpu.dma_semaphore, #tpu.memory_space<semaphore_mem>>) src(%dma_wait3A_312 : memref<160x128xf32, #tpu.memory_space<vmem_shared>>) dst(%arg14 : memref<160x128xf32, #tpu.memory_space<vmem>>)
        %mul3A_313 = arith.constant 160 : i32
        %mul3A_314 = arith.muli %sub3A_298, %mul3A_313 : i32
        %dma_start3A_315 = tpu.memref_slice %arg9[%mul3A_314] : memref<3200xi32, #tpu.memory_space<vmem>> -> memref<160xi32, #tpu.memory_space<vmem>>
        %dma_start3A_316 = arith.constant 0 : i32
        %dma_start3A_317 = arith.constant 0 : i32
        %dma_start3A_318 = tpu.memref_slice %arg22[%dma_start3A_316, %dma_start3A_317] : memref<512x128xf32, #tpu.memory_space<vmem_shared>> -> memref<512x128xf32, #tpu.memory_space<vmem_shared>>
        tpu.enqueue_indirect_dma source(%dma_start3A_318 : memref<512x128xf32, #tpu.memory_space<vmem_shared>>) target(%arg14 : memref<160x128xf32, #tpu.memory_space<vmem>>) offsets(%dma_start3A_315 : memref<160xi32, #tpu.memory_space<vmem>>) semaphore(%arg19 : memref<!tpu.dma_semaphore, #tpu.memory_space<semaphore_mem>>) {add = true}
      } else {
      }
      %scan3A_306 = arith.constant 0 : i32
      scf.yield %scan3A_306 : i32
    }
    %scan3A_71 = arith.constant 5 : i32
    return
  }
}

</mosaic_0001>

<sc_bundles>
// kernel: kernel.3.cloned.1.call-start
scs
__scs_entry_jumppad:
0x0: {  	(pc) =	sbr.rel $0x88, $3  }
0x1: {  	(tag) =	ssettag $0x0;
	lr =	simm.s32 $0x1  }
0x2: {  	[smem:$0x3F9C] =	sst lr;
	_ =	strace $0xD0000000  }
0x3: {  	_ = 	snop  }
0x4: {  	_ = 	snop  }
0x5: {  	_ = 	snop  }
0x6: {  	_ = 	snop  }
0x7: {  	_ = 	snop  }
__scs_overlays_trampoline_lowered:
0x8: {  	[smem:$0x3FAB] =	sst s0  }
0x9: {  	[smem:$0x3FAC] =	sst s1  }
0xa: {  	[smem:$0x3FAD] =	sst s2  }
0xb: {  	[smem:$0x3FAE] =	sst s3  }
0xc: {  	[smem:$0x3FAF] =	sst s4  }
0xd: {  	[smem:$0x3FB0] =	sst s5  }
0xe: {  	[smem:$0x3FB1] =	sst s6  }
0xf: {  	[smem:$0x3FB2] =	sst s7  }
0x10: {  	[smem:$0x3FB3] =	sst s8  }
0x11: {  	[smem:$0x3FB4] =	sst s9;
	s0 =	simm.s32 @!p0 $0x0  }
0x12: {  	s1 =	sld [smem:$0x3F9A];
	s0 =	simm.s32 @p0 $0x1  }
0x13: {  	[smem:$0x3FB5] =	sst s0;
	s0 =	simm.s32 @!p1 $0x0  }
0x14: {  	s2 =	sld [smem:$0x3F99];
	s0 =	simm.s32 @p1 $0x1  }
0x15: {  	[smem:$0x3FB6] =	sst s0;
	s0 =	simm.s32 @!p2 $0x0  }
0x16: {  	s3 =	sld [smem:$0x3FDB];
	s0 =	simm.s32 @p2 $0x1  }
0x17: {  	s4 =	simm.s32 $0x1BF5;
	[smem:$0x3FB8] =	sst s0  }
0x18: {  	s0 =	sld [smem:$0x3F9B];
	_ =	swait.ge [sflag:s4], $0x0  }
0x19: {  	s7 =	sld [smem:$0x3F9C]  }
0x1a: {  	s8 =	sadd.s32 $0xFFFFE003, lr  }
0x1b: {  	s9 =	sadd.s32 $0xFFFFFEF7, lr;
	s5 =	simm.s32 $0xFFFFFFFF;
	p2 =	slt.u32 s8, $0xFFFFF086  }
0x1c: {  	p1 =	slt.u32 s9, $0xF7A;
	s5 =	simm.s32 @!p2 $0x0  }
0x1d: {  	s5 =	simm.s32 @p1 $0x1;
	p0 =	seq.s32 s7, s2  }
0x1e: {  	s7 =	smul.u32 @!p0 $0xF7A, s2;
	p2 =	seq.s32 @!p0 s5, $0x0  }
0x1f: {  	s9 =	smul.u32 $0xF7A, s1;
	s8 =	simm.s32 @!p0 $0x1BF5;
	p2 =	por !p2, p0  }
0x20: {  	[sflag:s8] =	ssyncset.s32 @!p0 $0xFFFFF086;
	s6 =	sadd.s32 @!p0 s3, s7;
	s7 =	simm.s32 @!p0 $0x108  }
0x21: {  	s3 =	sadd.s32 s3, s9;
	s6 =	sadd.s32 @!p0 $0x88, s6;
	s7 =	simm.s32 @p2 $0x1082  }
0x22: {  	[simem:s7], [sflag:s8] =	dma.local @!p0 [hbm:s6], $0xF7A  }
0x23: {  	s9 =	sor.u32 $0xD0000000, s2;
	s6 =	simm.s32 $0x108;
	_ =	swait.ge @!p0 [sflag:s8], $0x0  }
0x24: {  	s3 =	sadd.s32 $0x88, s3;
	s6 =	simm.s32 @!p1 $0x1082;
	[sflag:s4] =	ssyncset.s32 $0xFFFFF086  }
0x25: {  	[simem:s6], [sflag:s4] =	dma.local [hbm:s3], $0xF7A  }
0x26: {  	[smem:$0x3F9C] =	sst s1;
	(tag) =	ssettag s2;
	_ =	strace s9  }
0x27: {  	s1 =	sld [smem:$0x3FAC]  }
0x28: {  	s2 =	sld [smem:$0x3FAD]  }
0x29: {  	s4 =	sld [smem:$0x3FAF]  }
0x2a: {  	p0 =	seq.s32 s5, $0x0;
	s5 =	sld [smem:$0x3FB0]  }
0x2b: {  	s6 =	sld [smem:$0x3FB1]  }
0x2c: {  	s7 =	sld [smem:$0x3FB2]  }
0x2d: {  	s3 =	simm.s32 $0x108;
	s8 =	sld [smem:$0x3FB3]  }
0x2e: {  	s3 =	simm.s32 @!p0 $0x1082;
	s9 =	sld [smem:$0x3FB4]  }
0x2f: {  	lr =	sadd.s32 s0, s3;
	s0 =	sld [smem:$0x3FAB]  }
0x30: {  	s3 =	sld [smem:$0x3FAE]  }
0x31: {  	[smem:$0x3FB7] =	sst s10  }
0x32: {  	s10 =	sld [smem:$0x3FB5];
	_ =	sdelay $0x3  }
0x33: {  	p0 =	seq.s32 s10, $0x1;
	s10 =	sld [smem:$0x3FB7];
	_ =	sdelay $0x3  }
0x34: {  	[smem:$0x3FB7] =	sst s10  }
0x35: {  	s10 =	sld [smem:$0x3FB6];
	_ =	sdelay $0x3  }
0x36: {  	p1 =	seq.s32 s10, $0x1;
	s10 =	sld [smem:$0x3FB7];
	_ =	sdelay $0x3  }
0x37: {  	[smem:$0x3FB7] =	sst s10  }
0x38: {  	s10 =	sld [smem:$0x3FB8]  }
0x39: {  	_ = 	snop;
	(pc) =	sbr.ind lr, $3  }
0x3a: {  	_ = 	snop  }
0x3b: {  	_ = 	snop  }
0x3c: {  	p2 =	seq.s32 s10, $0x1;
	s10 =	sld [smem:$0x3FB7]  }
0x3d: {  	_ =	shalt  }
0x3e: {  	_ =	shalt  }
0x3f: {  	_ =	shalt  }
0x40: {  	_ =	shalt  }
0x41: {  	_ =	shalt  }
0x42: {  	_ =	shalt  }
0x43: {  	_ =	shalt  }
0x44: {  	_ =	shalt  }
0x45: {  	_ =	shalt  }
0x46: {  	_ =	shalt  }
0x47: {  	_ =	shalt  }
0x48: {  	_ =	shalt  }
0x49: {  	_ =	shalt  }
0x4a: {  	_ =	shalt  }
0x4b: {  	_ =	shalt  }
0x4c: {  	_ =	shalt  }
0x4d: {  	_ =	shalt  }
0x4e: {  	_ =	shalt  }
0x4f: {  	_ =	shalt  }
0x50: {  	_ =	shalt  }
0x51: {  	_ =	shalt  }
0x52: {  	_ =	shalt  }
0x53: {  	_ =	shalt  }
0x54: {  	_ =	shalt  }
0x55: {  	_ =	shalt  }
0x56: {  	_ =	shalt  }
0x57: {  	_ =	shalt  }
0x58: {  	_ =	shalt  }
0x59: {  	_ =	shalt  }
0x5a: {  	_ =	shalt  }
0x5b: {  	_ =	shalt  }
0x5c: {  	_ =	shalt  }
0x5d: {  	_ =	shalt  }
0x5e: {  	_ =	shalt  }
0x5f: {  	_ =	shalt  }
0x60: {  	_ =	shalt  }
0x61: {  	_ =	shalt  }
0x62: {  	_ =	shalt  }
0x63: {  	_ =	shalt  }
0x64: {  	_ =	shalt  }
0x65: {  	_ =	shalt  }
0x66: {  	_ =	shalt  }
0x67: {  	_ =	shalt  }
0x68: {  	_ =	shalt  }
0x69: {  	_ =	shalt  }
0x6a: {  	_ =	shalt  }
0x6b: {  	_ =	shalt  }
0x6c: {  	_ =	shalt  }
0x6d: {  	_ =	shalt  }
0x6e: {  	_ =	shalt  }
0x6f: {  	_ =	shalt  }
0x70: {  	_ =	shalt  }
0x71: {  	_ =	shalt  }
0x72: {  	_ =	shalt  }
0x73: {  	_ =	shalt  }
0x74: {  	_ =	shalt  }
0x75: {  	_ =	shalt  }
0x76: {  	_ =	shalt  }
0x77: {  	_ =	shalt  }
0x78: {  	_ =	shalt  }
0x79: {  	_ =	shalt  }
0x7a: {  	_ =	shalt  }
0x7b: {  	_ =	shalt  }
0x7c: {  	_ =	shalt  }
0x7d: {  	_ =	shalt  }
0x7e: {  	_ =	shalt  }
0x7f: {  	_ =	shalt  }
0x80: {  	_ =	shalt  }
0x81: {  	_ =	shalt  }
0x82: {  	_ =	shalt  }
0x83: {  	_ =	shalt  }
0x84: {  	_ =	shalt  }
0x85: {  	_ =	shalt  }
0x86: {  	_ =	shalt  }
0x87: {  	_ =	shalt  }
.Lfunc_end0:
.L_simem_size_0:
called_computation_lowered:
.L_overlay_start_0:
0x88: {  	s2 =	sld [smem:$0x3FD9]  }
0x89: {  	s3 =	sld [smem:$0x3FFE];
	_ =	sdelay $0x1  }
0x8a: {  	s1 =	srdreg.scid  }
0x8b: {  	s0 =	sand.u32 $0x1, s1  }
0x8c: {  	s18 =	sshll.u32 s0, $0xA;
	s2 =	sadd.s32 s3, s2  }
0x8d: {  	s2 =	sadd.s32 s2, s18  }
0x8e: {  	[smem:$0x3FC3] =	sst s2  }
0x8f: {  	_ = 	snop  }
0x90: {  	s2 =	sld [smem:$0x3FC9]  }
0x91: {  	s19 =	sld [smem:$0x3FC8]  }
0x92: {  	s4 =	sld [smem:$0x3FC7]  }
0x93: {  	s5 =	sld [smem:$0x3FC6]  }
0x94: {  	s6 =	sld [smem:$0x3FC5]  }
0x95: {  	s7 =	sld [smem:$0x3FD0];
	(tm) =	ssettm $0x1  }
0x96: {  	s8 =	sld [smem:$0x3FFB];
	_ =	sdelay $0x3  }
0x97: {  	_ =	strace s8  }
0x98: {  	s8 =	sld [smem:$0x3FFC];
	_ =	sdelay $0x3  }
0x99: {  	_ =	strace s8  }
0x9a: {  	s8 =	sld [smem:$0x3FFD];
	_ =	sdelay $0x3  }
0x9b: {  	_ =	strace s8  }
0x9c: {  	_ =	strace $0x8FFFFFFF  }
0x9d: {  	s20 =	sld [smem:$0x3FDB];
	_ =	sdelay $0x1  }
0x9e: {  	s9 =	simm.s32 $_scs_section_size  }
0x9f: {  	s10 =	simm.s32 $_size__tile_overlayer_lowered;
	s11 =	simm.s32 $_tile_overlayer_lowered  }
0xa0: {  	s23 =	simm.s32 $0x1BFF;
	s22 =	sshll.u32 s11, $0x1;
	s8 =	sadd.s32 s9, s20  }
0xa1: {  	s12 =	simm.s32 $0x0;
	s21 =	sshll.u32 s10, $0x1;
	s10 =	sadd.s32 s22, s8  }
0xa2: {  	[timem:s12], [sflag:s23] =	dma.local [hbm:s10], s21  }
0xa3: {  	_ =	swait.ge [sflag:s23], s21  }
0xa4: {  	s9 =	ssub.s32 $0x0, s21;
	[sflag:s23] =	ssyncset.done $0x0  }
0xa5: {  	[sflag:s23] =	ssyncadd.s32 s9;
	_ =	sdelay $0x1  }
0xa6: {  	s24 =	simm.s32 $0x1B8B  }
0xa7: {  	_ =	swait.ge [sflag:s24], $0x1  }
0xa8: {  	[sflag:s24] =	ssyncset.done $0x0  }
0xa9: {  	s25 =	simm.s32 $0x1B8E;
	[sflag:s24] =	ssyncadd.s32 $0xFFFFFFFF  }
0xaa: {  	s26 =	simm.s32 $execute0_lowered;
	[smem:$0x3FD2] =	sst s25  }
0xab: {  	s9 =	sshll.u32 s26, $0x1;
	_ =	strace $0x80000046;
	[dreg:$0x1] =	wrdreg $0xFFFFFFFF  }
0xac: {  	s28 =	simm.s32 $_size_execute0_lowered;
	s8 =	sadd.s32 s8, s9;
	[dreg:$0x0] =	wrdreg $0x0  }
0xad: {  	s9 =	sshll.u32 s28, $0x1;
	[dreg:$0x2] =	wrdreg s8  }
0xae: {  	[dreg:$0x3] =	wrdreg s9  }
0xaf: {  	[dreg:$0x4] =	wrdreg $0xC0  }
0xb0: {  	_ =	task [dreg:s12], $0x5FFFF  }
0xb1: {  	[dreg:$0x1] =	wrdreg $0xFFFFFFFF  }
0xb2: {  	[dreg:$0x0] =	wrdreg $0x60  }
0xb3: {  	[dreg:$0x2] =	wrdreg s2  }
0xb4: {  	[dreg:$0x3] =	wrdreg s19  }
0xb5: {  	[dreg:$0x4] =	wrdreg s4  }
0xb6: {  	[dreg:$0x5] =	wrdreg s5  }
0xb7: {  	[dreg:$0x6] =	wrdreg s6  }
0xb8: {  	[dreg:$0x7] =	wrdreg s7  }
0xb9: {  	[dreg:$0x8] =	wrdreg $0x1B5800  }
0xba: {  	[dreg:$0x9] =	wrdreg $0x1C5800  }
0xbb: {  	[dreg:$0xa] =	wrdreg $0x9  }
0xbc: {  	_ =	task.clear_ibuf [dreg:s12], $0xBFFFF;
	_ =	strace $0x90000046  }
0xbd: {  	s29 =	simm.s32 $0x9;
	_ =	strace $0x80000048  }
0xbe: {  	_ =	swait.ge [sflag:s29], $0x1  }
0xbf: {  	[sflag:s29] =	ssyncadd.s32 $0xFFFFFFFF  }
0xc0: {  	_ =	strace $0x90000048  }
0xc1: {  	_ =	sfence  }
0xc2: {  	s30 =	sld [smem:$0x0];
	_ =	sdelay $0x2  }
0xc3: {  	s31 =	sshll.u32 s1, $0xD;
	s1 =	sshrl.u32 s1, $0x2  }
0xc4: {  	s3 =	sand.u32 $0x4000, s31;
	s1 =	sadd.s32 s1, s30  }
0xc5: {  	s0 =	sor.u32 s3, s0;
	s1 =	sshll.u32 s1, $0x11  }
0xc6: {  	s0 =	sor.u32 s1, s0  }
0xc7: {  	s0 =	sadd.s32 $0x8F2B, s0  }
0xc8: {  	[sflag:s0] =	ssyncadd.remote.s32 $0x1  }
0xc9: {  	_ =	sfence.sel $0xFFFF  }
0xca: {  	[dreg:$0x0] =	wrdreg $0xFFFFFFFF;
	(pc) =	sbr.abs _section_cstart, $3  }
0xcb: {  	[dreg:$0x1] =	wrdreg $0xFFFFFFFF  }
0xcc: {  	_ =	task.clear_ibuf [dreg:s12], $0x2FFFF;
	_ =	strace $0x9FFFFFFF  }
0xcd: {  	(tm) =	ssettm $0x7FFFFFFF  }
tec
execute0_lowered:
.L_overlay_start_1:
0x0: {  	(tag) =	ssettag $0x1  }
0x1: {  	s0 =	rddreg [dreg:$0x0]  }
0x2: {  	s1 =	rddreg [dreg:$0x1]  }
0x3: {  	s2 =	rddreg [dreg:$0x2]  }
0x4: {  	s5 =	rddreg [dreg:$0x3]  }
0x5: {  	s7 =	rddreg [dreg:$0x4]  }
0x6: {  	s8 =	rddreg [dreg:$0x5]  }
0x7: {  	s3 =	rddreg [dreg:$0x6];
	s6 =	srdreg.scid  }
0x8: {  	s16 =	stileid.u32;
	s4 =	rddreg [dreg:$0x7]  }
0x9: {  	s10 =	simm.s32 $0x0;
	s6 =	sand.u32 $0x1, s6;
	s9 =	sshll.u32 s16, $0x1  }
0xa: {  	[smem:$0x7FF] =	sst s10;
	s24 =	sshll.u32 s16, $0xC;
	s26 =	sshll.u32 s16, $0x9  }
0xb: {  	s31 =	sshll.u32 s16, $0x6;
	s9 =	sor.u32 s6, s9;
	s6 =	ssub.s32 $0x2, s6  }
0xc: {  	_ =	strace $0x80000047;
	s25 =	sadd.s32 s24, s3;
	s5 =	sadd.s32 s5, s26  }
0xd: {  	s7 =	sadd.s32 s7, s26;
	[dreg:$0x10] =	wrdreg s31;
	s20 =	smul.u32 $0x13, s9  }
0xe: {  	s11 =	sshrl.u32 s6, $0x1;
	s12 =	smul.u32 $0x14, s9;
	[dreg:$0xd] =	wrdreg s5  }
0xf: {  	s13 =	smul.u32 $0x190, s9;
	p1 =	sgt.u32 s9, $0x10;
	[dreg:$0xe] =	wrdreg s7  }
0x10: {  	s5 =	sor.u32 $0x1C03, s31;
	s11 =	ssub.s32 s6, s11;
	s6 =	simm.s32 $0x13  }
0x11: {  	[dreg:$0x11] =	wrdreg s5;
	s10 =	sadd.s32 $0x11, s20;
	s6 =	simm.s32 @!p1 $0x14  }
0x12: {  	s22 =	sadd.s32 s1, s13;
	s23 =	sadd.s32 s2, s13;
	s30 =	smax.u32 s11, $0x1  }
0x13: {  	s20 =	simm.s32 $0x3;
	s21 =	smul.u32 $0x14, s10;
	[dreg:$0x9] =	wrdreg s22  }
0x14: {  	s12 =	smov.u32 @p1 s10;
	[dreg:$0xa] =	wrdreg s23;
	s14 =	smul.u32 $0xA0, s6  }
0x15: {  	[dreg:$0xf] =	wrdreg s30;
	s28 =	smul.u32 $0xA00, s12;
	s1 =	sadd.s32 s1, s21  }
0x16: {  	s2 =	sadd.s32 s2, s21;
	[dreg:$0xb] =	wrdreg s1;
	s1 =	sadd.s32 s24, s4  }
0x17: {  	s29 =	smul.u32 $0xA0, s12;
	[dreg:$0xc] =	wrdreg s2;
	s1 =	sshrl.u32 s1, $0x3  }
0x18: {  	s2 =	sshrl.u32 s25, $0x3;
	[dreg:$0x13] =	wrdreg s1;
	s1 =	simm.s32 @!p1 $0x0  }
0x19: {  	v0 =	vlaneseq.u32;
	s22 =	simm.s32 $0x0;
	[dreg:$0x12] =	wrdreg s2;
	s1 =	simm.s32 @p1 $0x1  }
0x1a: {  	s21 =	simm.s32 $0x4;
	s15 =	sadd.s32 s28, s8;
	v0 =	vor.u32 s29, v0;
	[smem:$0x7FD] =	sst s1  }
.LBB2_1:
0x1b: {  	s2 =	rddreg [dreg:$0xb]  }
0x1c: {  	s5 =	rddreg [dreg:$0xc]  }
0x1d: {  	s28 =	rddreg [dreg:$0xd]  }
0x1e: {  	s1 =	simm.s32 @p1 $0x0;
	s29 =	rddreg [dreg:$0x11]  }
0x1f: {  	[tilespmem:s1], [sflag:$0x1] =	stream.linear.gather @p1 [hbm4b:s2+s1], $0xBE0, $0x38;
	[tilespmem:$0x1D580] =	vst v63  }
0x20: {  	s30 =	rddreg [dreg:$0x12];
	s2 =	simm.s32 @p1 $0xC80  }
0x21: {  	[tilespmem:s2], [sflag:$0x2] =	stream.linear.gather @p1 [hbm4b:s5+s1], $0xBE0, $0x38;
	[tilespmem:$0x1D580] =	vst v63  }
0x22: {  	s1 =	simm.s32 @!p1 $0x0;
	s2 =	rddreg [dreg:$0x9]  }
0x23: {  	[tilespmem:s1], [sflag:$0x1] =	stream.linear.gather @!p1 [hbm4b:s2+s1], $0xC80, $0x38;
	[tilespmem:$0x1D580] =	vst v63  }
0x24: {  	p0 =	sne.s32 s14, $0x10;
	s5 =	rddreg [dreg:$0xa];
	s2 =	simm.s32 @!p1 $0xC80  }
0x25: {  	[tilespmem:s2], [sflag:$0x2] =	stream.linear.gather @!p1 [hbm4b:s5+s1], $0xC80, $0x38;
	[tilespmem:$0x1D580] =	vst v63  }
0x26: {  	[spmem:s30], [sflag:s29] =	dma.local [hbm:s28], $0x200  }
.Ltmp0:
0x27: {  	s1 =	rddreg [dreg:$0x10];
	(pc) =	sbr.rel @!p0 .LBB2_3-.Ltmp0, $4  }
0x28: {  	s2 =	rddreg [dreg:$0xe]  }
0x29: {  	s31 =	simm.s32 $0x0;
	s5 =	rddreg [dreg:$0x13];
	s1 =	sor.u32 $0x1C04, s1  }
0x2a: {  	[spmem:s5], [sflag:s1] =	dma.local [hbm:s2], $0x200  }
0x2b: {  	v1 =	vadd.s32 s31, v0;
	s1 =	simm.s32 $0x1900;
	s2 =	simm.s32 $0x10  }
.LBB2_2:
0x2c: {  	s5 =	smov.u32 s2;
	s2 =	sadd.s32 $0x10, s2  }
0x2d: {  	[tilespmem:s1+$0x0] =	vst v1;
	s1 =	sadd.s32 $0x10, s1;
	p0 =	sne.s32 s14, s2  }
.Ltmp1:
0x2e: {  	(pc) =	sbr.rel @p0 .LBB2_2-.Ltmp1, $2  }
0x2f: {  	_ =	sdelay $0x2  }
0x30: {  	v1 =	vadd.s32 s5, v0  }
.LBB2_3:
0x31: {  	[tilespmem:s1+$0x0] =	vst v1;
	s1 =	simm.s32 @p1 $0x1  }
0x32: {  	_ =	swait.ge @p1 [sflag:s1], $0xBE0  }
0x33: {  	[sflag:s1] =	ssyncset.done @p1 $0x0  }
0x34: {  	[sflag:s1] =	ssyncadd.s32 @p1 $0xFFFFF420;
	s1 =	simm.s32 @p1 $0x2  }
0x35: {  	_ =	swait.ge @p1 [sflag:s1], $0xBE0  }
0x36: {  	[sflag:s1] =	ssyncset.done @p1 $0x0  }
0x37: {  	[sflag:s1] =	ssyncadd.s32 @p1 $0xFFFFF420;
	s1 =	simm.s32 @!p1 $0x1  }
0x38: {  	_ =	swait.ge @!p1 [sflag:s1], $0xC80  }
0x39: {  	[sflag:s1] =	ssyncset.done @!p1 $0x0  }
0x3a: {  	[sflag:s1] =	ssyncadd.s32 @!p1 $0xFFFFF380;
	s1 =	simm.s32 @!p1 $0x2  }
0x3b: {  	_ =	swait.ge @!p1 [sflag:s1], $0xC80  }
0x3c: {  	[sflag:s1] =	ssyncset.done @!p1 $0x0  }
0x3d: {  	[sflag:s1] =	ssyncadd.s32 @!p1 $0xFFFFF380  }
0x3e: {  	_ =	swait.ge [sflag:s20], $0x200  }
0x3f: {  	[sflag:s20] =	ssyncset.done $0x0  }
0x40: {  	[sflag:s20] =	ssyncadd.s32 $0xFFFFFE00  }
0x41: {  	_ =	swait.ge [sflag:s21], $0x200  }
0x42: {  	[sflag:s21] =	ssyncset.done $0x0  }
0x43: {  	p1 =	sle.u32 s6, $0xFFFFFFFB;
	[sflag:s21] =	ssyncadd.s32 $0xFFFFFE00  }
0x44: {  	s5 =	simm.s32 @!p1 $0x1;
	[bflag:$0x0] =	sbarrier.arrive $0xFFFF  }
0x45: {  	p0 =	sle.u32 s6, $0x0;
	p4 =	sle.u32 s6, $0xFFFFFFFD;
	_ =	swait.ge @!p1 [sflag:s5], $0x5000  }
0x46: {  	s7 =	simm.s32 @!p0 $0x0;
	s2 =	simm.s32 @!p0 $0xA0;
	[sflag:s5] =	ssyncset.done @!p1 $0x0  }
0x47: {  	s11 =	simm.s32 @!p4 $0x3;
	s1 =	simm.s32 @!p0 $0x2580;
	[sflag:s5] =	ssyncadd.s32 @!p1 $0xFFFFB000  }
0x48: {  	[tilespmem:s1], [sflag:$0x1] =	stream.indirect.gather @!p0 [spmem:s3], $0x80, s7, s2, $0xb8;
	[tilespmem:$0x1D580] =	vst v63  }
0x49: {  	p3 =	sle.u32 s6, $0xFFFFFFFE;
	_ =	swait.ge @!p4 [sflag:s11], $0x5000  }
0x4a: {  	s9 =	sadd.s32 @!p4 $0xFFFFE200, s15;
	s8 =	simm.s32 @!p3 $0x4;
	[sflag:s11] =	ssyncset.done @!p4 $0x0  }
0x4b: {  	s5 =	simm.s32 @!p4 $0x0;
	s7 =	simm.s32 @!p4 $0xC580;
	[sflag:s11] =	ssyncadd.s32 @!p4 $0xFFFFB000  }
0x4c: {  	[hbm4b:s9+s5] =	stream.linear.scatter @!p4 [tilespmem:s7], [sflag:$0x3], $0x5000, $0x38;
	[tilespmem:$0x1D580] =	vst v63  }
0x4d: {  	s12 =	simm.s32 @!p3 $0x11580;
	_ =	swait.ge @!p3 [sflag:s8], $0x5000  }
0x4e: {  	p1 =	sle.u32 s6, $0xFFFFFFFF;
	s7 =	simm.s32 @!p3 $0x17C0;
	[sflag:s8] =	ssyncset.done @!p3 $0x0  }
0x4f: {  	s9 =	simm.s32 @!p3 $0xA0;
	s5 =	simm.s32 @!p1 $0x5;
	[sflag:s8] =	ssyncadd.s32 @!p3 $0xFFFFB000  }
0x50: {  	[tilespmem:s12], [sflag:$0x4] =	stream.indirect.gather.add.f32 @!p3 [hbm:s0], $0x80, s7, s9, $0xb8;
	[tilespmem:$0x1D580] =	vst v63  }
0x51: {  	p5 =	sle.u32 s6, $0xFFFFFFFC;
	_ =	swait.ge @!p1 [sflag:s5], $0x5000  }
0x52: {  	s17 =	simm.s32 @!p5 $0x2;
	s13 =	simm.s32 @!p1 $0x16580;
	[sflag:s5] =	ssyncset.done @!p1 $0x0  }
0x53: {  	s7 =	simm.s32 @!p1 $0xBE0;
	s9 =	simm.s32 @!p1 $0xA0;
	[sflag:s5] =	ssyncadd.s32 @!p1 $0xFFFFB000  }
0x54: {  	[tilespmem:s13], [sflag:$0x5] =	stream.indirect.gather.add.f32 @!p1 [spmem:s4], $0x80, s7, s9, $0xb8;
	[tilespmem:$0x1D580] =	vst v63  }
0x55: {  	p2 =	sle.u32 s6, $0x1;
	_ =	swait.ge @!p5 [sflag:s17], $0x5000  }
0x56: {  	s18 =	simm.s32 @!p2 $0xA0;
	[sflag:s17] =	ssyncset.done @!p5 $0x0  }
0x57: {  	s10 =	simm.s32 @!p2 $0xA0;
	s7 =	simm.s32 @!p2 $0x7580;
	[sflag:s17] =	ssyncadd.s32 @!p5 $0xFFFFB000  }
0x58: {  	[tilespmem:s7], [sflag:$0x2] =	stream.indirect.gather @!p2 [spmem:s3], $0x80, s18, s10, $0xb8;
	[tilespmem:$0x1D580] =	vst v63  }
0x59: {  	_ =	swait.ge @!p3 [sflag:s8], $0x5000  }
0x5a: {  	[sflag:s8] =	ssyncset.done @!p3 $0x0  }
0x5b: {  	s17 =	sadd.s32 @!p3 $0xFFFFEC00, s15;
	s18 =	simm.s32 @!p3 $0x0;
	[sflag:s8] =	ssyncadd.s32 @!p3 $0xFFFFB000  }
0x5c: {  	[hbm4b:s17+s18] =	stream.linear.scatter @!p3 [tilespmem:s12], [sflag:$0x4], $0x5000, $0x38;
	[tilespmem:$0x1D580] =	vst v63  }
0x5d: {  	_ =	swait.ge @!p1 [sflag:s5], $0x5000  }
0x5e: {  	[sflag:s5] =	ssyncset.done @!p1 $0x0  }
0x5f: {  	s12 =	simm.s32 @!p1 $0x1860;
	s17 =	simm.s32 @!p0 $0x1;
	[sflag:s5] =	ssyncadd.s32 @!p1 $0xFFFFB000  }
0x60: {  	[tilespmem:s13], [sflag:$0x5] =	stream.indirect.gather.add.f32 @!p1 [hbm:s0], $0x80, s12, s9, $0xb8;
	[tilespmem:$0x1D580] =	vst v63  }
0x61: {  	_ =	swait.ge @!p0 [sflag:s17], $0x5000  }
0x62: {  	[sflag:s17] =	ssyncset.done @!p0 $0x0  }
0x63: {  	s9 =	simm.s32 @!p0 $0xC80;
	[sflag:s17] =	ssyncadd.s32 @!p0 $0xFFFFB000  }
0x64: {  	[tilespmem:s1], [sflag:$0x1] =	stream.indirect.gather.add.f32 @!p0 [spmem:s4], $0x80, s9, s2, $0xb8;
	[tilespmem:$0x1D580] =	vst v63  }
0x65: {  	p5 =	sle.u32 s6, $0x2;
	_ =	swait.ge @!p4 [sflag:s11], $0x5000  }
0x66: {  	s12 =	simm.s32 @!p5 $0x140;
	[sflag:s11] =	ssyncset.done @!p4 $0x0  }
0x67: {  	s9 =	simm.s32 @!p5 $0xC580;
	[sflag:s11] =	ssyncadd.s32 @!p4 $0xFFFFB000;
	s11 =	simm.s32 @!p5 $0xA0  }
0x68: {  	[tilespmem:s9], [sflag:$0x3] =	stream.indirect.gather @!p5 [spmem:s3], $0x80, s12, s11, $0xb8;
	[tilespmem:$0x1D580] =	vst v63  }
0x69: {  	_ =	swait.ge @!p1 [sflag:s5], $0x5000  }
0x6a: {  	[sflag:s5] =	ssyncset.done @!p1 $0x0  }
0x6b: {  	s18 =	simm.s32 @!p1 $0x0;
	s12 =	sadd.s32 @!p1 $0xFFFFF600, s15;
	[sflag:s5] =	ssyncadd.s32 @!p1 $0xFFFFB000  }
0x6c: {  	[hbm4b:s12+s18] =	stream.linear.scatter @!p1 [tilespmem:s13], [sflag:$0x5], $0x5000, $0x38;
	[tilespmem:$0x1D580] =	vst v63  }
0x6d: {  	_ =	swait.ge @!p0 [sflag:s17], $0x5000  }
0x6e: {  	[sflag:s17] =	ssyncset.done @!p0 $0x0  }
0x6f: {  	s12 =	simm.s32 @!p0 $0x1900;
	s13 =	simm.s32 @!p2 $0x2;
	[sflag:s17] =	ssyncadd.s32 @!p0 $0xFFFFB000  }
0x70: {  	[tilespmem:s1], [sflag:$0x1] =	stream.indirect.gather.add.f32 @!p0 [hbm:s0], $0x80, s12, s2, $0xb8;
	[tilespmem:$0x1D580] =	vst v63  }
0x71: {  	_ =	swait.ge @!p2 [sflag:s13], $0x5000  }
0x72: {  	[sflag:s13] =	ssyncset.done @!p2 $0x0  }
0x73: {  	s2 =	simm.s32 @!p2 $0xD20;
	[sflag:s13] =	ssyncadd.s32 @!p2 $0xFFFFB000  }
0x74: {  	[tilespmem:s7], [sflag:$0x2] =	stream.indirect.gather.add.f32 @!p2 [spmem:s4], $0x80, s2, s10, $0xb8;
	[tilespmem:$0x1D580] =	vst v63  }
0x75: {  	p4 =	sle.u32 s6, $0x3;
	_ =	swait.ge @!p3 [sflag:s8], $0x5000  }
0x76: {  	s31 =	simm.s32 @!p4 $0x11580;
	[sflag:s8] =	ssyncset.done @!p3 $0x0  }
0x77: {  	s2 =	simm.s32 @!p4 $0xA0;
	[sflag:s8] =	ssyncadd.s32 @!p3 $0xFFFFB000;
	s8 =	simm.s32 @!p4 $0x1E0  }
0x78: {  	[tilespmem:s31], [sflag:$0x4] =	stream.indirect.gather @!p4 [spmem:s3], $0x80, s8, s2, $0xb8;
	[tilespmem:$0x1D580] =	vst v63  }
0x79: {  	_ =	swait.ge @!p0 [sflag:s17], $0x5000  }
0x7a: {  	[sflag:s17] =	ssyncset.done @!p0 $0x0  }
0x7b: {  	s8 =	simm.s32 @!p0 $0x0;
	[sflag:s17] =	ssyncadd.s32 @!p0 $0xFFFFB000  }
0x7c: {  	[hbm4b:s15+s8] =	stream.linear.scatter @!p0 [tilespmem:s1], [sflag:$0x1], $0x5000, $0x38;
	[tilespmem:$0x1D580] =	vst v63  }
0x7d: {  	_ =	swait.ge @!p2 [sflag:s13], $0x5000  }
0x7e: {  	[sflag:s13] =	ssyncset.done @!p2 $0x0  }
0x7f: {  	s1 =	simm.s32 @!p2 $0x19A0;
	s8 =	simm.s32 @!p5 $0x3;
	[sflag:s13] =	ssyncadd.s32 @!p2 $0xFFFFB000  }
0x80: {  	[tilespmem:s7], [sflag:$0x2] =	stream.indirect.gather.add.f32 @!p2 [hbm:s0], $0x80, s1, s10, $0xb8;
	[tilespmem:$0x1D580] =	vst v63  }
0x81: {  	_ =	swait.ge @!p5 [sflag:s8], $0x5000  }
0x82: {  	[sflag:s8] =	ssyncset.done @!p5 $0x0  }
0x83: {  	s1 =	simm.s32 @!p5 $0xDC0;
	[sflag:s8] =	ssyncadd.s32 @!p5 $0xFFFFB000  }
0x84: {  	[tilespmem:s9], [sflag:$0x3] =	stream.indirect.gather.add.f32 @!p5 [spmem:s4], $0x80, s1, s11, $0xb8;
	[tilespmem:$0x1D580] =	vst v63  }
0x85: {  	p0 =	sle.u32 s6, $0x4;
	_ =	swait.ge @!p1 [sflag:s5], $0x5000  }
0x86: {  	s10 =	simm.s32 @!p0 $0xA0;
	[sflag:s5] =	ssyncset.done @!p1 $0x0  }
0x87: {  	s1 =	simm.s32 @!p0 $0x16580;
	[sflag:s5] =	ssyncadd.s32 @!p1 $0xFFFFB000;
	s5 =	simm.s32 @!p0 $0x280  }
0x88: {  	[tilespmem:s1], [sflag:$0x5] =	stream.indirect.gather @!p0 [spmem:s3], $0x80, s5, s10, $0xb8;
	[tilespmem:$0x1D580] =	vst v63  }
0x89: {  	_ =	swait.ge @!p2 [sflag:s13], $0x5000  }
0x8a: {  	[sflag:s13] =	ssyncset.done @!p2 $0x0  }
0x8b: {  	s1 =	sadd.s32 @!p2 $0xA00, s15;
	s5 =	simm.s32 @!p2 $0x0;
	[sflag:s13] =	ssyncadd.s32 @!p2 $0xFFFFB000  }
0x8c: {  	[hbm4b:s1+s5] =	stream.linear.scatter @!p2 [tilespmem:s7], [sflag:$0x2], $0x5000, $0x38;
	[tilespmem:$0x1D580] =	vst v63  }
0x8d: {  	s24 =	simm.s32 $0xC80;
	s26 =	simm.s32 $0x1900;
	_ =	swait.ge @!p5 [sflag:s8], $0x5000  }
0x8e: {  	s23 =	sadd.s32 $0x3200, s15;
	s25 =	simm.s32 $0x5;
	[sflag:s8] =	ssyncset.done @!p5 $0x0  }
0x8f: {  	p1 =	sle.u32 s6, $0x5;
	s1 =	simm.s32 @!p5 $0x1A40;
	[sflag:s8] =	ssyncadd.s32 @!p5 $0xFFFFB000  }
0x90: {  	[tilespmem:s9], [sflag:$0x3] =	stream.indirect.gather.add.f32 @!p5 [hbm:s0], $0x80, s1, s11, $0xb8;
	[tilespmem:$0x1D580] =	vst v63  }
0x91: {  	s5 =	simm.s32 @!p4 $0xE60;
	s8 =	simm.s32 $0x0;
	s1 =	simm.s32 @!p4 $0x4  }
.LBB2_4:
0x92: {  	p5 =	sge.u32 s8, s6;
	s7 =	sadd.s32 $0x1, s25;
	_ =	swait.ge @!p4 [sflag:s1], $0x5000  }
0x93: {  	s9 =	sadd.s32 $0xFFFFFFFD, s25;
	s8 =	simm.s32 @!p5 $0x1;
	[sflag:s1] =	ssyncset.done @!p4 $0x0  }
0x94: {  	s10 =	sadd.s32 $0xFFFFFFFF, s25;
	s11 =	sadd.s32 $0xFFFFFFFC, s25;
	[sflag:s1] =	ssyncadd.s32 @!p4 $0xFFFFB000  }
0x95: {  	p3 =	sge.u32 s10, s6;
	p0 =	sge.u32 s11, s6;
	p2 =	sge.u32 s7, s6  }
0x96: {  	[tilespmem:s31], [sflag:$0x4] =	stream.indirect.gather.add.f32 @!p4 [spmem:s4], $0x80, s5, s2, $0xb8;
	[tilespmem:$0x1D580] =	vst v63  }
0x97: {  	s1 =	sshra.s32 @!p1 s24, $0x2;
	s2 =	simm.s32 @!p1 $0xA0;
	_ =	swait.ge @!p5 [sflag:s8], $0x5000  }
0x98: {  	s28 =	simm.s32 @!p1 $0x2580;
	p4 =	sge.u32 s9, s6;
	[sflag:s8] =	ssyncset.done @!p5 $0x0  }
0x99: {  	s9 =	simm.s32 @!p4 $0x3;
	s7 =	simm.s32 @!p4 $0x0;
	[sflag:s8] =	ssyncadd.s32 @!p5 $0xFFFFB000  }
0x9a: {  	[tilespmem:s28], [sflag:$0x1] =	stream.indirect.gather @!p1 [spmem:s3], $0x80, s1, s2, $0xb8;
	[tilespmem:$0x1D580] =	vst v63  }
0x9b: {  	s5 =	sadd.s32 $0xFFFFFFFE, s25;
	s8 =	simm.s32 @!p4 $0xC580;
	_ =	swait.ge @!p4 [sflag:s9], $0x5000  }
0x9c: {  	s10 =	sadd.s32 @!p4 $0xFFFFE200, s23;
	p6 =	sge.u32 s5, s6;
	[sflag:s9] =	ssyncset.done @!p4 $0x0  }
0x9d: {  	s5 =	simm.s32 @!p6 $0x4;
	s11 =	sshra.s32 @!p6 s24, $0x2;
	[sflag:s9] =	ssyncadd.s32 @!p4 $0xFFFFB000  }
0x9e: {  	[hbm4b:s10+s7] =	stream.linear.scatter @!p4 [tilespmem:s8], [sflag:$0x3], $0x5000, $0x38;
	[tilespmem:$0x1D580] =	vst v63  }
0x9f: {  	s31 =	sadd.s32 @!p1 $0x1900, s1;
	s7 =	sadd.s32 @!p6 $0x17C0, s11;
	_ =	swait.ge @!p6 [sflag:s5], $0x5000  }
0xa0: {  	s8 =	simm.s32 @!p6 $0xA0;
	s11 =	simm.s32 @!p6 $0x11580;
	[sflag:s5] =	ssyncset.done @!p6 $0x0  }
0xa1: {  	s29 =	simm.s32 @!p3 $0x5;
	s10 =	sshra.s32 @!p3 s24, $0x2;
	[sflag:s5] =	ssyncadd.s32 @!p6 $0xFFFFB000  }
0xa2: {  	[tilespmem:s11], [sflag:$0x4] =	stream.indirect.gather.add.f32 @!p6 [hbm:s0], $0x80, s7, s8, $0xb8;
	[tilespmem:$0x1D580] =	vst v63  }
0xa3: {  	s18 =	sadd.s32 @!p3 $0x1860, s10;
	s7 =	sadd.s32 @!p3 $0xBE0, s10;
	_ =	swait.ge @!p3 [sflag:s29], $0x5000  }
0xa4: {  	s19 =	simm.s32 @!p3 $0xA0;
	s13 =	simm.s32 @!p3 $0x16580;
	[sflag:s29] =	ssyncset.done @!p3 $0x0  }
0xa5: {  	s16 =	sadd.s32 @!p1 $0xC80, s1;
	s10 =	simm.s32 @!p0 $0x2;
	[sflag:s29] =	ssyncadd.s32 @!p3 $0xFFFFB000  }
0xa6: {  	[tilespmem:s13], [sflag:$0x5] =	stream.indirect.gather.add.f32 @!p3 [spmem:s4], $0x80, s7, s19, $0xb8;
	[tilespmem:$0x1D580] =	vst v63  }
0xa7: {  	s30 =	simm.s32 @!p2 $0x7580;
	s1 =	sshra.s32 @!p2 s24, $0x2;
	_ =	swait.ge @!p0 [sflag:s10], $0x5000  }
0xa8: {  	s8 =	simm.s32 @!p2 $0xA0;
	s7 =	sadd.s32 @!p2 $0xA0, s1;
	[sflag:s10] =	ssyncset.done @!p0 $0x0  }
0xa9: {  	s12 =	sadd.s32 @!p2 $0xD20, s1;
	[sflag:s10] =	ssyncadd.s32 @!p0 $0xFFFFB000;
	s10 =	sadd.s32 @!p2 $0x19A0, s1  }
0xaa: {  	[tilespmem:s30], [sflag:$0x2] =	stream.indirect.gather @!p2 [spmem:s3], $0x80, s7, s8, $0xb8;
	[tilespmem:$0x1D580] =	vst v63  }
0xab: {  	s1 =	smov.u32 s26;
	s26 =	sadd.s32 $0xC80, s26;
	_ =	swait.ge @!p6 [sflag:s5], $0x5000  }
0xac: {  	s17 =	simm.s32 @!p6 $0x0;
	s7 =	sadd.s32 @!p6 $0xFFFFEC00, s23;
	[sflag:s5] =	ssyncset.done @!p6 $0x0  }
0xad: {  	p5 =	sne.s32 s26, $0x3E80;
	[sflag:s5] =	ssyncadd.s32 @!p6 $0xFFFFB000  }
0xae: {  	[hbm4b:s7+s17] =	stream.linear.scatter @!p6 [tilespmem:s11], [sflag:$0x4], $0x5000, $0x38;
	[tilespmem:$0x1D580] =	vst v63  }
0xaf: {  	_ =	swait.ge @!p3 [sflag:s29], $0x5000  }
0xb0: {  	[sflag:s29] =	ssyncset.done @!p3 $0x0  }
0xb1: {  	s17 =	simm.s32 @!p1 $0x1;
	[sflag:s29] =	ssyncadd.s32 @!p3 $0xFFFFB000  }
0xb2: {  	[tilespmem:s13], [sflag:$0x5] =	stream.indirect.gather.add.f32 @!p3 [hbm:s0], $0x80, s18, s19, $0xb8;
	[tilespmem:$0x1D580] =	vst v63  }
0xb3: {  	_ =	swait.ge @!p1 [sflag:s17], $0x5000  }
0xb4: {  	[sflag:s17] =	ssyncset.done @!p1 $0x0  }
0xb5: {  	s7 =	sadd.s32 $0x2, s25;
	[sflag:s17] =	ssyncadd.s32 @!p1 $0xFFFFB000  }
0xb6: {  	[tilespmem:s28], [sflag:$0x1] =	stream.indirect.gather.add.f32 @!p1 [spmem:s4], $0x80, s16, s2, $0xb8;
	[tilespmem:$0x1D580] =	vst v63  }
0xb7: {  	p0 =	sge.u32 s7, s6;
	_ =	swait.ge @!p4 [sflag:s9], $0x5000  }
0xb8: {  	s11 =	sshra.s32 @!p0 s24, $0x2;
	s7 =	simm.s32 @!p0 $0xC580;
	[sflag:s9] =	ssyncset.done @!p4 $0x0  }
0xb9: {  	s16 =	sadd.s32 @!p0 $0x140, s11;
	[sflag:s9] =	ssyncadd.s32 @!p4 $0xFFFFB000;
	s9 =	simm.s32 @!p0 $0xA0  }
0xba: {  	[tilespmem:s7], [sflag:$0x3] =	stream.indirect.gather @!p0 [spmem:s3], $0x80, s16, s9, $0xb8;
	[tilespmem:$0x1D580] =	vst v63  }
0xbb: {  	s18 =	sadd.s32 @!p0 $0xDC0, s11;
	s11 =	sadd.s32 @!p0 $0x1A40, s11;
	_ =	swait.ge @!p3 [sflag:s29], $0x5000  }
0xbc: {  	s19 =	simm.s32 @!p3 $0x0;
	s16 =	sadd.s32 @!p3 $0xFFFFF600, s23;
	[sflag:s29] =	ssyncset.done @!p3 $0x0  }
0xbd: {  	[sflag:s29] =	ssyncadd.s32 @!p3 $0xFFFFB000  }
0xbe: {  	[hbm4b:s16+s19] =	stream.linear.scatter @!p3 [tilespmem:s13], [sflag:$0x5], $0x5000, $0x38;
	[tilespmem:$0x1D580] =	vst v63  }
0xbf: {  	_ =	swait.ge @!p1 [sflag:s17], $0x5000  }
0xc0: {  	[sflag:s17] =	ssyncset.done @!p1 $0x0  }
0xc1: {  	s13 =	simm.s32 @!p2 $0x2;
	[sflag:s17] =	ssyncadd.s32 @!p1 $0xFFFFB000  }
0xc2: {  	[tilespmem:s28], [sflag:$0x1] =	stream.indirect.gather.add.f32 @!p1 [hbm:s0], $0x80, s31, s2, $0xb8;
	[tilespmem:$0x1D580] =	vst v63  }
0xc3: {  	_ =	swait.ge @!p2 [sflag:s13], $0x5000  }
0xc4: {  	[sflag:s13] =	ssyncset.done @!p2 $0x0  }
0xc5: {  	s2 =	sadd.s32 $0x3, s25;
	[sflag:s13] =	ssyncadd.s32 @!p2 $0xFFFFB000  }
0xc6: {  	[tilespmem:s30], [sflag:$0x2] =	stream.indirect.gather.add.f32 @!p2 [spmem:s4], $0x80, s12, s8, $0xb8;
	[tilespmem:$0x1D580] =	vst v63  }
0xc7: {  	p4 =	sge.u32 s2, s6;
	_ =	swait.ge @!p6 [sflag:s5], $0x5000  }
0xc8: {  	s31 =	simm.s32 @!p4 $0x11580;
	s12 =	sshra.s32 @!p4 s24, $0x2;
	[sflag:s5] =	ssyncset.done @!p6 $0x0  }
0xc9: {  	s2 =	simm.s32 @!p4 $0xA0;
	[sflag:s5] =	ssyncadd.s32 @!p6 $0xFFFFB000;
	s5 =	sadd.s32 @!p4 $0x1E0, s12  }
0xca: {  	[tilespmem:s31], [sflag:$0x4] =	stream.indirect.gather @!p4 [spmem:s3], $0x80, s5, s2, $0xb8;
	[tilespmem:$0x1D580] =	vst v63  }
0xcb: {  	s5 =	sadd.s32 @!p4 $0xE60, s12;
	_ =	swait.ge @!p1 [sflag:s17], $0x5000  }
0xcc: {  	s12 =	simm.s32 @!p1 $0x0;
	[sflag:s17] =	ssyncset.done @!p1 $0x0  }
0xcd: {  	[sflag:s17] =	ssyncadd.s32 @!p1 $0xFFFFB000  }
0xce: {  	[hbm4b:s23+s12] =	stream.linear.scatter @!p1 [tilespmem:s28], [sflag:$0x1], $0x5000, $0x38;
	[tilespmem:$0x1D580] =	vst v63  }
0xcf: {  	_ =	swait.ge @!p2 [sflag:s13], $0x5000  }
0xd0: {  	[sflag:s13] =	ssyncset.done @!p2 $0x0  }
0xd1: {  	s12 =	simm.s32 @!p0 $0x3;
	[sflag:s13] =	ssyncadd.s32 @!p2 $0xFFFFB000  }
0xd2: {  	[tilespmem:s30], [sflag:$0x2] =	stream.indirect.gather.add.f32 @!p2 [hbm:s0], $0x80, s10, s8, $0xb8;
	[tilespmem:$0x1D580] =	vst v63  }
0xd3: {  	_ =	swait.ge @!p0 [sflag:s12], $0x5000  }
0xd4: {  	[sflag:s12] =	ssyncset.done @!p0 $0x0  }
0xd5: {  	s8 =	sadd.s32 $0x4, s25;
	[sflag:s12] =	ssyncadd.s32 @!p0 $0xFFFFB000  }
0xd6: {  	[tilespmem:s7], [sflag:$0x3] =	stream.indirect.gather.add.f32 @!p0 [spmem:s4], $0x80, s18, s9, $0xb8;
	[tilespmem:$0x1D580] =	vst v63  }
0xd7: {  	p1 =	sge.u32 s8, s6;
	_ =	swait.ge @!p3 [sflag:s29], $0x5000  }
0xd8: {  	s8 =	sshra.s32 @!p1 s24, $0x2;
	s10 =	simm.s32 @!p1 $0x16580;
	[sflag:s29] =	ssyncset.done @!p3 $0x0  }
0xd9: {  	s16 =	simm.s32 @!p1 $0xA0;
	s8 =	sadd.s32 @!p1 $0x280, s8;
	[sflag:s29] =	ssyncadd.s32 @!p3 $0xFFFFB000  }
0xda: {  	[tilespmem:s10], [sflag:$0x5] =	stream.indirect.gather @!p1 [spmem:s3], $0x80, s8, s16, $0xb8;
	[tilespmem:$0x1D580] =	vst v63  }
0xdb: {  	s24 =	smov.u32 s1;
	_ =	swait.ge @!p2 [sflag:s13], $0x5000  }
0xdc: {  	s1 =	sadd.s32 @!p2 $0xA00, s23;
	s8 =	simm.s32 @!p2 $0x0;
	[sflag:s13] =	ssyncset.done @!p2 $0x0  }
0xdd: {  	[sflag:s13] =	ssyncadd.s32 @!p2 $0xFFFFB000  }
0xde: {  	[hbm4b:s1+s8] =	stream.linear.scatter @!p2 [tilespmem:s30], [sflag:$0x2], $0x5000, $0x38;
	[tilespmem:$0x1D580] =	vst v63  }
.Ltmp2:
0xdf: {  	_ = 	snop;
	(pc) =	sbr.rel @p5 .LBB2_4-.Ltmp2, $4  }
0xe0: {  	s23 =	sadd.s32 $0x3200, s23;
	_ =	swait.ge @!p0 [sflag:s12], $0x5000  }
0xe1: {  	s25 =	sadd.s32 $0x5, s25;
	s1 =	simm.s32 @!p4 $0x4;
	[sflag:s12] =	ssyncset.done @!p0 $0x0  }
0xe2: {  	p1 =	sge.u32 s25, s6;
	s8 =	sadd.s32 $0xFFFFFFFB, s25;
	[sflag:s12] =	ssyncadd.s32 @!p0 $0xFFFFB000  }
0xe3: {  	[tilespmem:s7], [sflag:$0x3] =	stream.indirect.gather.add.f32 @!p0 [hbm:s0], $0x80, s11, s9, $0xb8;
	[tilespmem:$0x1D580] =	vst v63  }
0xe4: {  	p0 =	sge.u32 s8, s6;
	_ =	swait.ge @!p4 [sflag:s1], $0x5000  }
0xe5: {  	s11 =	sadd.s32 $0xFFFFFFFD, s25;
	s12 =	sadd.s32 $0xFFFFFFFF, s25;
	[sflag:s1] =	ssyncset.done @!p4 $0x0  }
0xe6: {  	s18 =	sadd.s32 $0xFFFFFFFC, s25;
	s9 =	simm.s32 @!p0 $0x1;
	[sflag:s1] =	ssyncadd.s32 @!p4 $0xFFFFB000  }
0xe7: {  	[tilespmem:s31], [sflag:$0x4] =	stream.indirect.gather.add.f32 @!p4 [spmem:s4], $0x80, s5, s2, $0xb8;
	[tilespmem:$0x1D580] =	vst v63  }
0xe8: {  	s8 =	sshra.s32 @!p1 s24, $0x2;
	s7 =	simm.s32 @!p1 $0xA0;
	_ =	swait.ge @!p0 [sflag:s9], $0x5000  }
0xe9: {  	s19 =	sadd.s32 $0xFFFFFFFE, s25;
	p5 =	sge.u32 s11, s6;
	[sflag:s9] =	ssyncset.done @!p0 $0x0  }
0xea: {  	s1 =	simm.s32 @!p1 $0x2580;
	s17 =	simm.s32 @!p5 $0x3;
	[sflag:s9] =	ssyncadd.s32 @!p0 $0xFFFFB000  }
0xeb: {  	[tilespmem:s1], [sflag:$0x1] =	stream.indirect.gather @!p1 [spmem:s3], $0x80, s8, s7, $0xb8;
	[tilespmem:$0x1D580] =	vst v63  }
0xec: {  	p3 =	sge.u32 s19, s6;
	s11 =	simm.s32 @!p5 $0xC580;
	_ =	swait.ge @!p5 [sflag:s17], $0x5000  }
0xed: {  	s13 =	sadd.s32 @!p5 $0xFFFFE200, s23;
	s2 =	simm.s32 @!p5 $0x0;
	[sflag:s17] =	ssyncset.done @!p5 $0x0  }
0xee: {  	p4 =	sge.u32 s18, s6;
	s9 =	simm.s32 @!p3 $0x4;
	[sflag:s17] =	ssyncadd.s32 @!p5 $0xFFFFB000  }
0xef: {  	[hbm4b:s13+s2] =	stream.linear.scatter @!p5 [tilespmem:s11], [sflag:$0x3], $0x5000, $0x38;
	[tilespmem:$0x1D580] =	vst v63  }
0xf0: {  	p0 =	sge.u32 s12, s6;
	s12 =	simm.s32 @!p3 $0xA0;
	_ =	swait.ge @!p3 [sflag:s9], $0x5000  }
0xf1: {  	s2 =	sshra.s32 @!p3 s24, $0x2;
	s13 =	simm.s32 @!p3 $0x11580;
	[sflag:s9] =	ssyncset.done @!p3 $0x0  }
0xf2: {  	s11 =	sadd.s32 @!p3 $0x17C0, s2;
	s2 =	simm.s32 @!p0 $0x5;
	[sflag:s9] =	ssyncadd.s32 @!p3 $0xFFFFB000  }
0xf3: {  	[tilespmem:s13], [sflag:$0x4] =	stream.indirect.gather.add.f32 @!p3 [hbm:s0], $0x80, s11, s12, $0xb8;
	[tilespmem:$0x1D580] =	vst v63  }
0xf4: {  	s10 =	sadd.s32 $0x1, s25;
	s26 =	simm.s32 @!p4 $0x2;
	_ =	swait.ge @!p0 [sflag:s2], $0x5000  }
0xf5: {  	s16 =	sshra.s32 @!p0 s24, $0x2;
	s18 =	simm.s32 @!p0 $0xA0;
	[sflag:s2] =	ssyncset.done @!p0 $0x0  }
0xf6: {  	s19 =	simm.s32 @!p0 $0x16580;
	s5 =	sadd.s32 @!p0 $0xBE0, s16;
	[sflag:s2] =	ssyncadd.s32 @!p0 $0xFFFFB000  }
0xf7: {  	[tilespmem:s19], [sflag:$0x5] =	stream.indirect.gather.add.f32 @!p0 [spmem:s4], $0x80, s5, s18, $0xb8;
	[tilespmem:$0x1D580] =	vst v63  }
0xf8: {  	p2 =	sge.u32 s10, s6;
	_ =	swait.ge @!p4 [sflag:s26], $0x5000  }
0xf9: {  	s11 =	sshra.s32 @!p2 s24, $0x2;
	s12 =	simm.s32 @!p2 $0xA0;
	[sflag:s26] =	ssyncset.done @!p4 $0x0  }
0xfa: {  	s10 =	sadd.s32 @!p2 $0xA0, s11;
	s5 =	simm.s32 @!p2 $0x7580;
	[sflag:s26] =	ssyncadd.s32 @!p4 $0xFFFFB000  }
0xfb: {  	[tilespmem:s5], [sflag:$0x2] =	stream.indirect.gather @!p2 [spmem:s3], $0x80, s10, s12, $0xb8;
	[tilespmem:$0x1D580] =	vst v63  }
0xfc: {  	_ =	swait.ge @!p3 [sflag:s9], $0x5000  }
0xfd: {  	[sflag:s9] =	ssyncset.done @!p3 $0x0  }
0xfe: {  	s26 =	simm.s32 @!p3 $0x0;
	s10 =	sadd.s32 @!p3 $0xFFFFEC00, s23;
	[sflag:s9] =	ssyncadd.s32 @!p3 $0xFFFFB000  }
0xff: {  	[hbm4b:s10+s26] =	stream.linear.scatter @!p3 [tilespmem:s13], [sflag:$0x4], $0x5000, $0x38;
	[tilespmem:$0x1D580] =	vst v63  }
0x100: {  	_ =	swait.ge @!p0 [sflag:s2], $0x5000  }
0x101: {  	[sflag:s2] =	ssyncset.done @!p0 $0x0  }
0x102: {  	s10 =	sadd.s32 @!p0 $0x1860, s16;
	s16 =	simm.s32 @!p1 $0x1;
	[sflag:s2] =	ssyncadd.s32 @!p0 $0xFFFFB000  }
0x103: {  	[tilespmem:s19], [sflag:$0x5] =	stream.indirect.gather.add.f32 @!p0 [hbm:s0], $0x80, s10, s18, $0xb8;
	[tilespmem:$0x1D580] =	vst v63  }
0x104: {  	_ =	swait.ge @!p1 [sflag:s16], $0x5000  }
0x105: {  	s26 =	sadd.s32 $0x2, s25;
	[sflag:s16] =	ssyncset.done @!p1 $0x0  }
0x106: {  	p4 =	sge.u32 s26, s6;
	s10 =	sadd.s32 @!p1 $0xC80, s8;
	[sflag:s16] =	ssyncadd.s32 @!p1 $0xFFFFB000  }
0x107: {  	[tilespmem:s1], [sflag:$0x1] =	stream.indirect.gather.add.f32 @!p1 [spmem:s4], $0x80, s10, s7, $0xb8;
	[tilespmem:$0x1D580] =	vst v63  }
0x108: {  	s13 =	sshra.s32 @!p4 s24, $0x2;
	_ =	swait.ge @!p5 [sflag:s17], $0x5000  }
0x109: {  	s18 =	sadd.s32 @!p4 $0x140, s13;
	[sflag:s17] =	ssyncset.done @!p5 $0x0  }
0x10a: {  	s10 =	simm.s32 @!p4 $0xC580;
	[sflag:s17] =	ssyncadd.s32 @!p5 $0xFFFFB000;
	s17 =	simm.s32 @!p4 $0xA0  }
0x10b: {  	[tilespmem:s10], [sflag:$0x3] =	stream.indirect.gather @!p4 [spmem:s3], $0x80, s18, s17, $0xb8;
	[tilespmem:$0x1D580] =	vst v63  }
0x10c: {  	_ =	swait.ge @!p0 [sflag:s2], $0x5000  }
0x10d: {  	[sflag:s2] =	ssyncset.done @!p0 $0x0  }
0x10e: {  	s26 =	simm.s32 @!p0 $0x0;
	s18 =	sadd.s32 @!p0 $0xFFFFF600, s23;
	[sflag:s2] =	ssyncadd.s32 @!p0 $0xFFFFB000  }
0x10f: {  	[hbm4b:s18+s26] =	stream.linear.scatter @!p0 [tilespmem:s19], [sflag:$0x5], $0x5000, $0x38;
	[tilespmem:$0x1D580] =	vst v63  }
0x110: {  	_ =	swait.ge @!p1 [sflag:s16], $0x5000  }
0x111: {  	[sflag:s16] =	ssyncset.done @!p1 $0x0  }
0x112: {  	s8 =	sadd.s32 @!p1 $0x1900, s8;
	s18 =	simm.s32 @!p2 $0x2;
	[sflag:s16] =	ssyncadd.s32 @!p1 $0xFFFFB000  }
0x113: {  	[tilespmem:s1], [sflag:$0x1] =	stream.indirect.gather.add.f32 @!p1 [hbm:s0], $0x80, s8, s7, $0xb8;
	[tilespmem:$0x1D580] =	vst v63  }
0x114: {  	_ =	swait.ge @!p2 [sflag:s18], $0x5000  }
0x115: {  	[sflag:s18] =	ssyncset.done @!p2 $0x0  }
0x116: {  	s28 =	sadd.s32 $0x3, s25;
	s7 =	sadd.s32 @!p2 $0xD20, s11;
	[sflag:s18] =	ssyncadd.s32 @!p2 $0xFFFFB000  }
0x117: {  	[tilespmem:s5], [sflag:$0x2] =	stream.indirect.gather.add.f32 @!p2 [spmem:s4], $0x80, s7, s12, $0xb8;
	[tilespmem:$0x1D580] =	vst v63  }
0x118: {  	p5 =	sge.u32 s28, s6;
	_ =	swait.ge @!p3 [sflag:s9], $0x5000  }
0x119: {  	s19 =	simm.s32 @!p5 $0xA0;
	s7 =	sshra.s32 @!p5 s24, $0x2;
	[sflag:s9] =	ssyncset.done @!p3 $0x0  }
0x11a: {  	s8 =	simm.s32 @!p5 $0x11580;
	[sflag:s9] =	ssyncadd.s32 @!p3 $0xFFFFB000;
	s9 =	sadd.s32 @!p5 $0x1E0, s7  }
0x11b: {  	[tilespmem:s8], [sflag:$0x4] =	stream.indirect.gather @!p5 [spmem:s3], $0x80, s9, s19, $0xb8;
	[tilespmem:$0x1D580] =	vst v63  }
0x11c: {  	_ =	swait.ge @!p1 [sflag:s16], $0x5000  }
0x11d: {  	[sflag:s16] =	ssyncset.done @!p1 $0x0  }
0x11e: {  	s9 =	simm.s32 @!p1 $0x0;
	[sflag:s16] =	ssyncadd.s32 @!p1 $0xFFFFB000  }
0x11f: {  	[hbm4b:s23+s9] =	stream.linear.scatter @!p1 [tilespmem:s1], [sflag:$0x1], $0x5000, $0x38;
	[tilespmem:$0x1D580] =	vst v63  }
0x120: {  	_ =	swait.ge @!p2 [sflag:s18], $0x5000  }
0x121: {  	[sflag:s18] =	ssyncset.done @!p2 $0x0  }
0x122: {  	s1 =	sadd.s32 @!p2 $0x19A0, s11;
	s9 =	simm.s32 @!p4 $0x3;
	[sflag:s18] =	ssyncadd.s32 @!p2 $0xFFFFB000  }
0x123: {  	[tilespmem:s5], [sflag:$0x2] =	stream.indirect.gather.add.f32 @!p2 [hbm:s0], $0x80, s1, s12, $0xb8;
	[tilespmem:$0x1D580] =	vst v63  }
0x124: {  	_ =	swait.ge @!p4 [sflag:s9], $0x5000  }
0x125: {  	[sflag:s9] =	ssyncset.done @!p4 $0x0  }
0x126: {  	s29 =	sadd.s32 $0x4, s25;
	s1 =	sadd.s32 @!p4 $0xDC0, s13;
	[sflag:s9] =	ssyncadd.s32 @!p4 $0xFFFFB000  }
0x127: {  	[tilespmem:s10], [sflag:$0x3] =	stream.indirect.gather.add.f32 @!p4 [spmem:s4], $0x80, s1, s17, $0xb8;
	[tilespmem:$0x1D580] =	vst v63  }
0x128: {  	p1 =	sge.u32 s29, s6;
	_ =	swait.ge @!p0 [sflag:s2], $0x5000  }
0x129: {  	s11 =	simm.s32 @!p1 $0x16580;
	s1 =	sshra.s32 @!p1 s24, $0x2;
	[sflag:s2] =	ssyncset.done @!p0 $0x0  }
0x12a: {  	s1 =	sadd.s32 @!p1 $0x280, s1;
	[sflag:s2] =	ssyncadd.s32 @!p0 $0xFFFFB000;
	s2 =	simm.s32 @!p1 $0xA0  }
0x12b: {  	[tilespmem:s11], [sflag:$0x5] =	stream.indirect.gather @!p1 [spmem:s3], $0x80, s1, s2, $0xb8;
	[tilespmem:$0x1D580] =	vst v63  }
0x12c: {  	_ =	swait.ge @!p2 [sflag:s18], $0x5000  }
0x12d: {  	[sflag:s18] =	ssyncset.done @!p2 $0x0  }
0x12e: {  	s1 =	sadd.s32 @!p2 $0xA00, s23;
	s2 =	simm.s32 @!p2 $0x0;
	[sflag:s18] =	ssyncadd.s32 @!p2 $0xFFFFB000  }
0x12f: {  	[hbm4b:s1+s2] =	stream.linear.scatter @!p2 [tilespmem:s5], [sflag:$0x2], $0x5000, $0x38;
	[tilespmem:$0x1D580] =	vst v63  }
0x130: {  	_ =	swait.ge @!p4 [sflag:s9], $0x5000  }
0x131: {  	[sflag:s9] =	ssyncset.done @!p4 $0x0  }
0x132: {  	s1 =	sadd.s32 @!p4 $0x1A40, s13;
	s2 =	simm.s32 @!p5 $0x4;
	[sflag:s9] =	ssyncadd.s32 @!p4 $0xFFFFB000  }
0x133: {  	[tilespmem:s10], [sflag:$0x3] =	stream.indirect.gather.add.f32 @!p4 [hbm:s0], $0x80, s1, s17, $0xb8;
	[tilespmem:$0x1D580] =	vst v63  }
0x134: {  	_ =	swait.ge @!p5 [sflag:s2], $0x5000  }
0x135: {  	s22 =	sadd.s32 $0x1, s22;
	s30 =	rddreg [dreg:$0xf]  }
0x136: {  	p0 =	sne.s32 s22, s30  }
.Ltmp3:
0x137: {  	_ = 	snop;
	(pc) =	sbr.rel @p0 .LBB2_1-.Ltmp3, $4  }
0x138: {  	[sflag:s2] =	ssyncset.done @!p5 $0x0;
	s31 =	sld [smem:$0x7FD]  }
0x139: {  	s1 =	sadd.s32 @!p5 $0xE60, s7;
	[sflag:s2] =	ssyncadd.s32 @!p5 $0xFFFFB000  }
0x13a: {  	[tilespmem:s8], [sflag:$0x4] =	stream.indirect.gather.add.f32 @!p5 [spmem:s4], $0x80, s1, s19, $0xb8;
	[tilespmem:$0x1D580] =	vst v63  }
0x13b: {  	p1 =	seq.s32 s31, $0x1  }
0x13c: {  	_ =	sfence.sel $0x180000  }
0x13d: {  	[bflag:$0x0] =	sbarrier.arrive $0xFFFF  }
0x13e: {  	_ =	strace $0x90000047  }
0x13f: {  	s0 =	stileid.u32;
	[bflag:$0x2] =	sbarrier.arrive $0xFFFF  }
0x140: {  	p0 =	sne.s32 s0, $0x0;
	s0 =	rddreg [dreg:$0x8]  }
0x141: {  	s0 =	sadd.s32 @!p0 $0x100000, s0  }
0x142: {  	[sflag:s0] =	ssyncadd.tile.s32 @!p0 $0x1;
	_ =	shalt  }
.Lfunc_end2:
_tile_overlayer_lowered:
.L_overlay_start_2:
0x143: {  	(tag) =	ssettag $0x2  }
0x144: {  	s0 =	rddreg [dreg:$0x0];
	s2 =	stileid.u32  }
0x145: {  	s1 =	rddreg [dreg:$0x1];
	p0 =	sne.s32 s2, $0x0  }
0x146: {  	s3 =	rddreg [dreg:$0x2];
	[bflag:$0x3] =	sbarrier.arrive $0xFFFF;
	s2 =	simm.s32 @!p0 $0x1C06  }
0x147: {  	[timem:s3], [sflag:s2] =	dma.local @!p0 [hbm:s0], s1  }
0x148: {  	s0 =	simm.s32 @!p0 $0x6  }
0x149: {  	_ =	swait.ge @!p0 [sflag:s0], s1  }
0x14a: {  	s1 =	ssub.s32 @!p0 $0x0, s1;
	[sflag:s0] =	ssyncset.done @!p0 $0x0  }
0x14b: {  	[sflag:s0] =	ssyncadd.s32 @!p0 s1  }
0x14c: {  	[bflag:$0x3] =	sbarrier.arrive $0xFFFF  }
0x14d: {  	_ =	shalt  }

</sc_bundles>
